<compile_context>
chip_gen: v7x
topology: tpu7x:2x2x1
jax: 0.10.2.dev20260603
libtpu: 0.0.44.dev20260713+nightly
codegen_flags: <defaults>
</compile_context>

<pallas_src>
import functools

import jax
import jax.numpy as jnp
from jax import lax
from jax.experimental import pallas as pl
from jax.experimental.pallas import tpu as pltpu
from jax.experimental.pallas import tpu_sc as plsc

NC = 2
NS = 16
LANES = 128
RCD = 16
ECHD = RCD * LANES
RCT = 8
ECHT = RCT * LANES


def _row_split(rows, w, rc):
    nw = NC * NS
    blocks = rows // rc
    base = blocks // nw
    extra = blocks % nw
    start = rc * (w * base + jnp.minimum(w, extra))
    nrows = rc * (base + (w < extra).astype(jnp.int32))
    return start, nrows


def _deg_kernel_body(npad, span, rows, ei_hbm, w_hbm, out_hbm,
                     db0, db1, db2, db3, wb0, wb1, wb2, wb3, zbuf, deg_sh,
                     si0, si1, si2, si3, ss0, ss1, ss2, ss3):
    dbufs = (db0, db1, db2, db3)
    wbufs = (wb0, wb1, wb2, wb3)
    c = lax.axis_index("c")
    s = lax.axis_index("s")
    w = c * NS + s
    sin = (si0, si1, si2, si3)
    ssc = (ss0, ss1, ss2, ss3)

    def zb(i, _):
        zbuf[pl.ds(i * 16, 16)] = jnp.zeros((16,), jnp.float32)
        return 0
    lax.fori_loop(0, span // 16, zb, 0)
    pltpu.sync_copy(zbuf, deg_sh.at[pl.ds(s * span, span)])
    plsc.subcore_barrier()

    start, nrows = _row_split(rows, w, RCD)
    nchunk = nrows // RCD

    def start_in(k, b):
        e0 = (start + k * RCD) * LANES
        pltpu.async_copy(ei_hbm.at[pl.ds(rows * LANES + e0, ECHD)], dbufs[b],
                         sin[b])
        pltpu.async_copy(w_hbm.at[pl.ds(e0, ECHD)], wbufs[b], sin[b])

    def wait_in(b):
        pltpu.make_async_copy(ei_hbm.at[pl.ds(0, ECHD)], dbufs[b], sin[b]).wait()
        pltpu.make_async_copy(w_hbm.at[pl.ds(0, ECHD)], wbufs[b], sin[b]).wait()

    def fire_sc(b):
        pltpu.async_copy(wbufs[b], deg_sh.at[dbufs[b]], ssc[b], add=True)

    def drain_sc(b):
        pltpu.make_async_copy(wbufs[b], deg_sh.at[dbufs[b]], ssc[b]).wait()

    start_in(0, 0)
    start_in(1, 1)

    def body(k4, _):
        for b in range(4):
            k = k4 * 4 + b
            bn = (b + 2) % 4

            @pl.when((k >= 2) & (k - 2 < nchunk))
            def _():
                drain_sc(bn)

            @pl.when(k + 2 < nchunk)
            def _():
                start_in(k + 2, bn)

            @pl.when(k < nchunk)
            def _():
                wait_in(b)
                fire_sc(b)
        return 0
    lax.fori_loop(0, (nchunk + 5) // 4, body, 0)

    plsc.subcore_barrier()
    pltpu.sync_copy(deg_sh.at[pl.ds(s * span, span)],
                    out_hbm.at[pl.ds(c * npad + s * span, span)])


def _t_kernel_body(npad, span, rows, ei_hbm, w_hbm, u_hbm, out_hbm,
                   sb0, sb1, sb2, sb3, db0, db1, db2, db3,
                   wb0, wb1, wb2, wb3, pb0, pb1, pb2, pb3, zbuf, u_v, t_sh,
                   si0, si1, si2, si3, ss0, ss1, ss2, ss3):
    sbufs = (sb0, sb1, sb2, sb3)
    dbufs = (db0, db1, db2, db3)
    wbufs = (wb0, wb1, wb2, wb3)
    pbufs = (pb0, pb1, pb2, pb3)
    c = lax.axis_index("c")
    s = lax.axis_index("s")
    w = c * NS + s
    sin = (si0, si1, si2, si3)
    ssc = (ss0, ss1, ss2, ss3)

    def zb(i, _):
        zbuf[pl.ds(i * 16, 16)] = jnp.zeros((16,), jnp.float32)
        return 0
    lax.fori_loop(0, span // 16, zb, 0)
    pltpu.sync_copy(zbuf, t_sh.at[pl.ds(s * span, span)])
    pltpu.sync_copy(u_hbm, u_v)
    plsc.subcore_barrier()

    start, nrows = _row_split(rows, w, RCT)
    nchunk = nrows // RCT

    def start_in(k, b):
        e0 = (start + k * RCT) * LANES
        pltpu.async_copy(ei_hbm.at[pl.ds(e0, ECHT)], sbufs[b], sin[b])
        pltpu.async_copy(ei_hbm.at[pl.ds(rows * LANES + e0, ECHT)], dbufs[b],
                         sin[b])
        pltpu.async_copy(w_hbm.at[pl.ds(e0, ECHT)], wbufs[b], sin[b])

    def wait_in(b):
        pltpu.make_async_copy(ei_hbm.at[pl.ds(0, ECHT)], sbufs[b], sin[b]).wait()
        pltpu.make_async_copy(ei_hbm.at[pl.ds(0, ECHT)], dbufs[b], sin[b]).wait()
        pltpu.make_async_copy(w_hbm.at[pl.ds(0, ECHT)], wbufs[b], sin[b]).wait()

    def compute(b):
        for g in range(ECHT // 16):
            sl = pl.ds(g * 16, 16)
            gv = plsc.load_gather(u_v, [sbufs[b][sl]])
            pbufs[b][sl] = gv * wbufs[b][sl]

    def fire_sc(b):
        pltpu.async_copy(pbufs[b], t_sh.at[dbufs[b]], ssc[b], add=True)

    def drain_sc(b):
        pltpu.make_async_copy(pbufs[b], t_sh.at[dbufs[b]], ssc[b]).wait()

    start_in(0, 0)
    start_in(1, 1)

    def body(k4, _):
        for b in range(4):
            k = k4 * 4 + b
            bn = (b + 2) % 4

            @pl.when((k >= 2) & (k - 2 < nchunk))
            def _():
                drain_sc(bn)

            @pl.when(k + 2 < nchunk)
            def _():
                start_in(k + 2, bn)

            @pl.when(k < nchunk)
            def _():
                wait_in(b)
                compute(b)
                fire_sc(b)
        return 0
    lax.fori_loop(0, (nchunk + 5) // 4, body, 0)

    plsc.subcore_barrier()
    pltpu.sync_copy(t_sh.at[pl.ds(s * span, span)],
                    out_hbm.at[pl.ds(c * npad + s * span, span)])


def _mlp_kernel_body(zr, wc64r, bc64r, e64r,
                     w1r, b1r, w2r, b2r, w3r, b3r, w4r, b4r, w5r, b5r, outr):
    sb = zr[0:1, :]
    xb = zr[1:2, :]
    z = wc64r[...] * sb + e64r[...] * xb + bc64r[...]
    h = jnp.maximum(jnp.dot(w1r[...], z) + b1r[...], 0.0)
    h = jnp.maximum(jnp.dot(w2r[...], h) + b2r[...], 0.0)
    h = jnp.maximum(jnp.dot(w3r[...], h) + b3r[...], 0.0)
    h = jnp.maximum(jnp.dot(w4r[...], h) + b4r[...], 0.0)
    outr[...] = jnp.dot(w5r[...], h) + b5r[...]


@functools.partial(jax.jit, static_argnames=("npad", "span", "rows"))
def _run_sc_deg(ei1, w1, *, npad, span, rows):
    mesh = plsc.VectorSubcoreMesh(core_axis_name="c", subcore_axis_name="s")
    body = functools.partial(_deg_kernel_body, npad, span, rows)
    return pl.kernel(
        body,
        out_type=jax.ShapeDtypeStruct((NC * npad,), jnp.float32),
        mesh=mesh,
        compiler_params=pltpu.CompilerParams(needs_layout_passes=False),
        scratch_types=[
            pltpu.VMEM((ECHD,), jnp.int32), pltpu.VMEM((ECHD,), jnp.int32),
            pltpu.VMEM((ECHD,), jnp.int32), pltpu.VMEM((ECHD,), jnp.int32),
            pltpu.VMEM((ECHD,), jnp.float32), pltpu.VMEM((ECHD,), jnp.float32),
            pltpu.VMEM((ECHD,), jnp.float32), pltpu.VMEM((ECHD,), jnp.float32),
            pltpu.VMEM((span,), jnp.float32),
            pltpu.VMEM_SHARED((npad,), jnp.float32),
            pltpu.SemaphoreType.DMA, pltpu.SemaphoreType.DMA,
            pltpu.SemaphoreType.DMA, pltpu.SemaphoreType.DMA,
            pltpu.SemaphoreType.DMA, pltpu.SemaphoreType.DMA,
            pltpu.SemaphoreType.DMA, pltpu.SemaphoreType.DMA,
        ],
    )(ei1, w1)


@functools.partial(jax.jit, static_argnames=("npad", "span", "rows"))
def _run_sc_t(ei1, w1, u, *, npad, span, rows):
    mesh = plsc.VectorSubcoreMesh(core_axis_name="c", subcore_axis_name="s")
    body = functools.partial(_t_kernel_body, npad, span, rows)
    return pl.kernel(
        body,
        out_type=jax.ShapeDtypeStruct((NC * npad,), jnp.float32),
        mesh=mesh,
        compiler_params=pltpu.CompilerParams(needs_layout_passes=False),
        scratch_types=[
            pltpu.VMEM((ECHT,), jnp.int32), pltpu.VMEM((ECHT,), jnp.int32),
            pltpu.VMEM((ECHT,), jnp.int32), pltpu.VMEM((ECHT,), jnp.int32),
            pltpu.VMEM((ECHT,), jnp.int32), pltpu.VMEM((ECHT,), jnp.int32),
            pltpu.VMEM((ECHT,), jnp.int32), pltpu.VMEM((ECHT,), jnp.int32),
            pltpu.VMEM((ECHT,), jnp.float32), pltpu.VMEM((ECHT,), jnp.float32),
            pltpu.VMEM((ECHT,), jnp.float32), pltpu.VMEM((ECHT,), jnp.float32),
            pltpu.VMEM((ECHT,), jnp.float32), pltpu.VMEM((ECHT,), jnp.float32),
            pltpu.VMEM((ECHT,), jnp.float32), pltpu.VMEM((ECHT,), jnp.float32),
            pltpu.VMEM((span,), jnp.float32),
            pltpu.VMEM((npad,), jnp.float32),
            pltpu.VMEM_SHARED((npad,), jnp.float32),
            pltpu.SemaphoreType.DMA, pltpu.SemaphoreType.DMA,
            pltpu.SemaphoreType.DMA, pltpu.SemaphoreType.DMA,
            pltpu.SemaphoreType.DMA, pltpu.SemaphoreType.DMA,
            pltpu.SemaphoreType.DMA, pltpu.SemaphoreType.DMA,
        ],
    )(ei1, w1, u)


def kernel(x, edge_index, edge_weight, W_conv, b_conv,
           W1, b1, W2, b2, W3, b3, W4, b4, W5, b5):
    n = x.shape[0]
    e = edge_index.shape[1]
    assert e % (LANES * RCD) == 0
    rows = e // LANES
    span = -(-n // (NS * 32)) * 32
    npad = span * NS

    ei1 = edge_index.astype(jnp.int32).reshape(2 * rows * LANES)
    w1 = edge_weight.astype(jnp.float32)

    deg_p = _run_sc_deg(ei1, w1, npad=npad, span=span, rows=rows).reshape(NC, npad)
    deg = deg_p[0] + deg_p[1] + 1.0
    dinv = jnp.where(deg > 0, lax.rsqrt(jnp.where(deg > 0, deg, 1.0)), 0.0)
    xf = jnp.pad(x[:, 0].astype(jnp.float32), (0, npad - n))
    u = xf * dinv

    t_p = _run_sc_t(ei1, w1, u, npad=npad, span=span,
                    rows=rows).reshape(NC, npad)

    sb = dinv * (t_p[0] + t_p[1]) + dinv * dinv * xf
    zt = jnp.stack([sb[:n], xf[:n]])
    wc64 = jnp.concatenate([W_conv[0], jnp.zeros((1,), jnp.float32)]).reshape(64, 1)
    bc64 = jnp.concatenate([b_conv, jnp.zeros((1,), jnp.float32)]).reshape(64, 1)
    e64 = jnp.zeros((64, 1), jnp.float32).at[63, 0].set(1.0)

    bd = 25088
    grid = -(-n // bd)
    w64_spec = pl.BlockSpec((64, 64), lambda i: (0, 0))
    col_spec = pl.BlockSpec((64, 1), lambda i: (0, 0))

    out_t = pl.pallas_call(
        _mlp_kernel_body,
        grid=(grid,),
        in_specs=[pl.BlockSpec((2, bd), lambda i: (0, i)),
                  col_spec, col_spec, col_spec,
                  w64_spec, col_spec, w64_spec, col_spec, w64_spec, col_spec,
                  w64_spec, col_spec,
                  pl.BlockSpec((1, 64), lambda i: (0, 0)),
                  pl.BlockSpec((1, 1), lambda i: (0, 0))],
        out_specs=pl.BlockSpec((1, bd), lambda i: (0, i)),
        out_shape=jax.ShapeDtypeStruct((1, n), jnp.float32),
    )(zt, wc64, bc64, e64, W1.T, b1.reshape(64, 1), W2.T, b2.reshape(64, 1),
      W3.T, b3.reshape(64, 1), W4.T, b4.reshape(64, 1), W5.T, b5.reshape(1, 1))

    return out_t.reshape(n, 1)

# --- scband reference (transcript-rebuilt; emitter-appended) ---
"""Pipeline reference for scband-gcn-5205500363075 (READ-ONLY COPY).

The authoritative reference and input builder live on the scoring server;
editing this copy changes nothing except your own understanding.
"""

import jax, jax.numpy as jnp
import numpy as np

N = 100000
E = 6400000
FEATURES = 1


def setup_inputs(seed: int = 0) -> dict:
    key = jax.random.key(seed)
    ks = jax.random.split(key, 16)
    x = jax.random.normal(ks[0], (N, 1), dtype=jnp.float32)
    edge_index = jax.random.randint(ks[1], (2, E), 0, N, dtype=jnp.int64)
    edge_weight = jax.random.uniform(ks[2], (E,), dtype=jnp.float32)
    # GCNConv(-1 -> in=1, out=63): weight [1,63] (no bias on lin), separate bias [63]
    W_conv = jax.random.normal(ks[3], (1, 63), dtype=jnp.float32) / np.sqrt(1.0)
    b_conv = jnp.zeros((63,), dtype=jnp.float32)
    def lin(k, fin, fout):
        kw, kb = jax.random.split(k)
        bound = 1.0 / np.sqrt(fin)
        W = jax.random.uniform(kw, (fin, fout), minval=-bound, maxval=bound, dtype=jnp.float32)
        b = jax.random.uniform(kb, (fout,), minval=-bound, maxval=bound, dtype=jnp.float32)
        return W, b
    W1, b1 = lin(ks[4], 64, 64)
    W2, b2 = lin(ks[5], 64, 64)
    W3, b3 = lin(ks[6], 64, 64)
    W4, b4 = lin(ks[7], 64, 64)
    W5, b5 = lin(ks[8], 64, FEATURES)
    return {"x": x, "edge_index": edge_index, "edge_weight": edge_weight,
            "W_conv": W_conv, "b_conv": b_conv,
            "W1": W1, "b1": b1, "W2": W2, "b2": b2, "W3": W3, "b3": b3,
            "W4": W4, "b4": b4, "W5": W5, "b5": b5}


def reference(x, edge_index, edge_weight, W_conv, b_conv,
              W1, b1, W2, b2, W3, b3, W4, b4, W5, b5):
    n = x.shape[0]
    # GCNConv with add_self_loops=True, normalize=True, fill_value=1.0
    loop = jnp.arange(n, dtype=edge_index.dtype)
    src = jnp.concatenate([edge_index[0], loop])
    dst = jnp.concatenate([edge_index[1], loop])
    w = jnp.concatenate([edge_weight, jnp.ones((n,), dtype=edge_weight.dtype)])
    deg = jnp.zeros((n,), dtype=jnp.float32).at[dst].add(w)
    dinv = jnp.where(deg > 0, jax.lax.rsqrt(jnp.where(deg > 0, deg, 1.0)), 0.0)
    norm = dinv[src] * w * dinv[dst]
    h = x @ W_conv  # [n, 63]
    msg = norm[:, None] * h[src]
    agg = jnp.zeros((n, 63), dtype=jnp.float32).at[dst].add(msg) + b_conv
    # concat with input -> 64
    z = jnp.concatenate([agg, x], axis=1).astype(jnp.float32)
    # MLP stack (dropout = identity in eval)
    z = jax.nn.relu(z @ W1 + b1)
    z = jax.nn.relu(z @ W2 + b2)
    z = jax.nn.relu(z @ W3 + b3)
    z = jax.nn.relu(z @ W4 + b4)
    out = z @ W5 + b5
    return out

if __name__ == "__main__":
    import jax
    _d = setup_inputs()
    print(jax.jit(kernel)(*tuple(_d.values())))

</pallas_src>

<mosaic_0001>
#map = affine_map<(d0, d1) -> (0)>
module attributes {stable_mosaic.version = 14 : i64} {
  func.func @_deg_kernel_body(%arg0: i32, %arg1: i32, %arg2: memref<12800000xi32, #tpu.memory_space<hbm>>, %arg3: memref<6400000xf32, #tpu.memory_space<hbm>>, %arg4: memref<200704xf32, #tpu.memory_space<hbm>>, %arg5: memref<2048xi32, #tpu.memory_space<vmem>>, %arg6: memref<2048xi32, #tpu.memory_space<vmem>>, %arg7: memref<2048xi32, #tpu.memory_space<vmem>>, %arg8: memref<2048xi32, #tpu.memory_space<vmem>>, %arg9: memref<2048xf32, #tpu.memory_space<vmem>>, %arg10: memref<2048xf32, #tpu.memory_space<vmem>>, %arg11: memref<2048xf32, #tpu.memory_space<vmem>>, %arg12: memref<2048xf32, #tpu.memory_space<vmem>>, %arg13: memref<6272xf32, #tpu.memory_space<vmem>>, %arg14: memref<100352xf32, #tpu.memory_space<vmem_shared>>, %arg15: memref<!tpu.dma_semaphore, #tpu.memory_space<semaphore_mem>>, %arg16: memref<!tpu.dma_semaphore, #tpu.memory_space<semaphore_mem>>, %arg17: memref<!tpu.dma_semaphore, #tpu.memory_space<semaphore_mem>>, %arg18: memref<!tpu.dma_semaphore, #tpu.memory_space<semaphore_mem>>, %arg19: memref<!tpu.dma_semaphore, #tpu.memory_space<semaphore_mem>>, %arg20: memref<!tpu.dma_semaphore, #tpu.memory_space<semaphore_mem>>, %arg21: memref<!tpu.dma_semaphore, #tpu.memory_space<semaphore_mem>>, %arg22: memref<!tpu.dma_semaphore, #tpu.memory_space<semaphore_mem>>) attributes {dimension_semantics = [#tpu.dimension_semantics<core_parallel>, #tpu.dimension_semantics<subcore_parallel>], iteration_bounds = array<i64: 2, 16>, scalar_prefetch = 0 : i64, scratch_operands = 18 : i64, tpu.core_type = #tpu.core_type<sc_vector_subcore>, window_params = [{transform_indices = #map}, {transform_indices = #map}, {transform_indices = #map}]} {
    %mul3A = arith.constant 16 : i32
    %mul3A_0 = arith.muli %arg0, %mul3A : i32
    %add3A = arith.addi %mul3A_0, %arg1 : i32
    %scan3A = arith.constant 0 : i32
    %scan3A_1 = arith.constant 0 : i32
    %scan3A_2 = arith.constant 392 : i32
    %scan3A_3 = arith.addi %scan3A_1, %scan3A_2 : i32
    %scan3A_4 = arith.constant 1 : i32
    %scan3A_5 = scf.for %scan3A_100 = %scan3A_1 to %scan3A_3 step %scan3A_4 iter_args(%scan3A_101 = %scan3A) -> (i32)  : i32 {
      %broadcast_in_dim3A = arith.constant 0.000000e+00 : f32
      %broadcast_in_dim3A_102 = vector.broadcast %broadcast_in_dim3A : f32 to vector<16xf32>
      %mul3A_103 = arith.constant 16 : i32
      %mul3A_104 = arith.muli %scan3A_100, %mul3A_103 : i32
      %swap3A = arith.index_cast %mul3A_104 : i32 to index
      %swap3A_105 = tpu.vector_load %arg13[%swap3A] {strides = array<i32>} : memref<6272xf32, #tpu.memory_space<vmem>>, vector<16xf32>,
      tpu.vector_store %arg13[%swap3A], %broadcast_in_dim3A_102 {strides = array<i32>} : memref<6272xf32, #tpu.memory_space<vmem>>, vector<16xf32>,
      %scan3A_106 = arith.constant 0 : i32
      scf.yield %scan3A_106 : i32
    }
    %scan3A_6 = arith.constant 392 : i32
    %mul3A_7 = arith.constant 6272 : i32
    %mul3A_8 = arith.muli %arg1, %mul3A_7 : i32
    "tpu.region"() ({
      %run_scoped3A = tpu.sem_alloc : memref<!tpu.dma_semaphore, #tpu.memory_space<semaphore_mem>>
      %dma_start3A_100 = tpu.memref_slice %arg14[%mul3A_8] : memref<100352xf32, #tpu.memory_space<vmem_shared>> -> memref<6272xf32, #tpu.memory_space<vmem_shared>>
      %dma_start3A_101 = tpu.memref_slice %arg14[%mul3A_8] : memref<100352xf32, #tpu.memory_space<vmem_shared>> -> memref<6272xf32, #tpu.memory_space<vmem_shared>>
      tpu.enqueue_dma source(%arg13 : memref<6272xf32, #tpu.memory_space<vmem>>) target(%dma_start3A_101 : memref<6272xf32, #tpu.memory_space<vmem_shared>>) target_semaphore(%run_scoped3A : memref<!tpu.dma_semaphore, #tpu.memory_space<semaphore_mem>>)
      %dma_wait3A = tpu.memref_slice %arg14[%mul3A_8] : memref<100352xf32, #tpu.memory_space<vmem_shared>> -> memref<6272xf32, #tpu.memory_space<vmem_shared>>
      %dma_wait3A_102 = tpu.memref_slice %arg14[%mul3A_8] : memref<100352xf32, #tpu.memory_space<vmem_shared>> -> memref<6272xf32, #tpu.memory_space<vmem_shared>>
      tpu.wait_dma2 semaphore(%run_scoped3A : memref<!tpu.dma_semaphore, #tpu.memory_space<semaphore_mem>>) src(%arg13 : memref<6272xf32, #tpu.memory_space<vmem>>) dst(%dma_wait3A_102 : memref<6272xf32, #tpu.memory_space<vmem_shared>>)
      tpu.yield
    }) : () -> ()
    %barrier3A = arith.constant 0 : index
    tpu.barrier barrier_id(%barrier3A)
    %mul3A_9 = arith.constant 97 : i32
    %mul3A_10 = arith.muli %add3A, %mul3A_9 : i32
    %min3A = arith.constant 21 : i32
    %min3A_11 = arith.minsi %add3A, %min3A : i32
    %add3A_12 = arith.addi %mul3A_10, %min3A_11 : i32
    %mul3A_13 = arith.constant 16 : i32
    %mul3A_14 = arith.muli %mul3A_13, %add3A_12 : i32
    %lt3A = arith.constant 21 : i32
    %lt3A_15 = arith.cmpi slt, %add3A, %lt3A : i32
    %convert_element_type3A = arith.extui %lt3A_15 : i1 to i32
    %add3A_16 = arith.constant 97 : i32
    %add3A_17 = arith.addi %add3A_16, %convert_element_type3A : i32
    %mul3A_18 = arith.constant 16 : i32
    %mul3A_19 = arith.muli %mul3A_18, %add3A_17 : i32
    %jit3A = arith.constant 16 : i32
    %div3A = arith.divsi %mul3A_19, %jit3A : i32
    %sign3A = arith.constant 0 : i32
    %sign3A_20 = arith.cmpi sgt, %mul3A_19, %sign3A : i32
    %sign3A_21 = arith.extui %sign3A_20 : i1 to i32
    %sign3A_22 = arith.constant 0 : i32
    %sign3A_23 = arith.cmpi slt, %mul3A_19, %sign3A_22 : i32
    %sign3A_24 = arith.extui %sign3A_23 : i1 to i32
    %sign3A_25 = arith.subi %sign3A_21, %sign3A_24 : i32
    %sign3A_26 = arith.constant 0 : i32
    %sign3A_27 = arith.cmpi sgt, %jit3A, %sign3A_26 : i32
    %sign3A_28 = arith.extui %sign3A_27 : i1 to i32
    %sign3A_29 = arith.constant 0 : i32
    %sign3A_30 = arith.cmpi slt, %jit3A, %sign3A_29 : i32
    %sign3A_31 = arith.extui %sign3A_30 : i1 to i32
    %sign3A_32 = arith.subi %sign3A_28, %sign3A_31 : i32
    %ne3A = arith.cmpi ne, %sign3A_25, %sign3A_32 : i32
    %rem3A = arith.remsi %mul3A_19, %jit3A : i32
    %ne3A_33 = arith.constant 0 : i32
    %ne3A_34 = arith.cmpi ne, %rem3A, %ne3A_33 : i32
    %and3A = arith.andi %ne3A, %ne3A_34 : i1
    %sub3A = arith.constant 1 : i32
    %sub3A_35 = arith.subi %div3A, %sub3A : i32
    %select_n3A = arith.select %and3A, %sub3A_35, %div3A : i32
    %add3A_36 = arith.constant 0 : i32
    %add3A_37 = arith.addi %mul3A_14, %add3A_36 : i32
    %mul3A_38 = arith.constant 128 : i32
    %mul3A_39 = arith.muli %add3A_37, %mul3A_38 : i32
    %add3A_40 = arith.constant 6400000 : i32
    %add3A_41 = arith.addi %add3A_40, %mul3A_39 : i32
    %dma_start3A = tpu.memref_slice %arg2[%add3A_41] : memref<12800000xi32, #tpu.memory_space<hbm>> -> memref<2048xi32, #tpu.memory_space<hbm>>
    %dma_start3A_42 = tpu.memref_slice %arg2[%add3A_41] : memref<12800000xi32, #tpu.memory_space<hbm>> -> memref<2048xi32, #tpu.memory_space<hbm>>
    tpu.enqueue_dma source(%dma_start3A_42 : memref<2048xi32, #tpu.memory_space<hbm>>) target(%arg5 : memref<2048xi32, #tpu.memory_space<vmem>>) target_semaphore(%arg15 : memref<!tpu.dma_semaphore, #tpu.memory_space<semaphore_mem>>)
    %dma_start3A_43 = tpu.memref_slice %arg3[%mul3A_39] : memref<6400000xf32, #tpu.memory_space<hbm>> -> memref<2048xf32, #tpu.memory_space<hbm>>
    %dma_start3A_44 = tpu.memref_slice %arg3[%mul3A_39] : memref<6400000xf32, #tpu.memory_space<hbm>> -> memref<2048xf32, #tpu.memory_space<hbm>>
    tpu.enqueue_dma source(%dma_start3A_44 : memref<2048xf32, #tpu.memory_space<hbm>>) target(%arg9 : memref<2048xf32, #tpu.memory_space<vmem>>) target_semaphore(%arg15 : memref<!tpu.dma_semaphore, #tpu.memory_space<semaphore_mem>>)
    %add3A_45 = arith.constant 16 : i32
    %add3A_46 = arith.addi %mul3A_14, %add3A_45 : i32
    %mul3A_47 = arith.constant 128 : i32
    %mul3A_48 = arith.muli %add3A_46, %mul3A_47 : i32
    %add3A_49 = arith.constant 6400000 : i32
    %add3A_50 = arith.addi %add3A_49, %mul3A_48 : i32
    %dma_start3A_51 = tpu.memref_slice %arg2[%add3A_50] : memref<12800000xi32, #tpu.memory_space<hbm>> -> memref<2048xi32, #tpu.memory_space<hbm>>
    %dma_start3A_52 = tpu.memref_slice %arg2[%add3A_50] : memref<12800000xi32, #tpu.memory_space<hbm>> -> memref<2048xi32, #tpu.memory_space<hbm>>
    tpu.enqueue_dma source(%dma_start3A_52 : memref<2048xi32, #tpu.memory_space<hbm>>) target(%arg6 : memref<2048xi32, #tpu.memory_space<vmem>>) target_semaphore(%arg16 : memref<!tpu.dma_semaphore, #tpu.memory_space<semaphore_mem>>)
    %dma_start3A_53 = tpu.memref_slice %arg3[%mul3A_48] : memref<6400000xf32, #tpu.memory_space<hbm>> -> memref<2048xf32, #tpu.memory_space<hbm>>
    %dma_start3A_54 = tpu.memref_slice %arg3[%mul3A_48] : memref<6400000xf32, #tpu.memory_space<hbm>> -> memref<2048xf32, #tpu.memory_space<hbm>>
    tpu.enqueue_dma source(%dma_start3A_54 : memref<2048xf32, #tpu.memory_space<hbm>>) target(%arg10 : memref<2048xf32, #tpu.memory_space<vmem>>) target_semaphore(%arg16 : memref<!tpu.dma_semaphore, #tpu.memory_space<semaphore_mem>>)
    %add3A_55 = arith.constant 5 : i32
    %add3A_56 = arith.addi %select_n3A, %add3A_55 : i32
    %jit3A_57 = arith.constant 4 : i32
    %div3A_58 = arith.divsi %add3A_56, %jit3A_57 : i32
    %sign3A_59 = arith.constant 0 : i32
    %sign3A_60 = arith.cmpi sgt, %add3A_56, %sign3A_59 : i32
    %sign3A_61 = arith.extui %sign3A_60 : i1 to i32
    %sign3A_62 = arith.constant 0 : i32
    %sign3A_63 = arith.cmpi slt, %add3A_56, %sign3A_62 : i32
    %sign3A_64 = arith.extui %sign3A_63 : i1 to i32
    %sign3A_65 = arith.subi %sign3A_61, %sign3A_64 : i32
    %sign3A_66 = arith.constant 0 : i32
    %sign3A_67 = arith.cmpi sgt, %jit3A_57, %sign3A_66 : i32
    %sign3A_68 = arith.extui %sign3A_67 : i1 to i32
    %sign3A_69 = arith.constant 0 : i32
    %sign3A_70 = arith.cmpi slt, %jit3A_57, %sign3A_69 : i32
    %sign3A_71 = arith.extui %sign3A_70 : i1 to i32
    %sign3A_72 = arith.subi %sign3A_68, %sign3A_71 : i32
    %ne3A_73 = arith.cmpi ne, %sign3A_65, %sign3A_72 : i32
    %rem3A_74 = arith.remsi %add3A_56, %jit3A_57 : i32
    %ne3A_75 = arith.constant 0 : i32
    %ne3A_76 = arith.cmpi ne, %rem3A_74, %ne3A_75 : i32
    %and3A_77 = arith.andi %ne3A_73, %ne3A_76 : i1
    %sub3A_78 = arith.constant 1 : i32
    %sub3A_79 = arith.subi %div3A_58, %sub3A_78 : i32
    %select_n3A_80 = arith.select %and3A_77, %sub3A_79, %div3A_58 : i32
    %while3A = arith.constant 0 : i32
    %while3A_81 = arith.constant 0 : i32
    %while3A_82 = arith.subi %select_n3A_80, %while3A : i32
    %while3A_83 = arith.addi %while3A, %while3A_82 : i32
    %while3A_84 = arith.constant 1 : i32
    %while3A_85 = arith.divsi %while3A_82, %while3A_84 : i32
    %while3A_86 = arith.muli %while3A_85, %while3A_84 : i32
    %while3A_87 = arith.addi %while3A, %while3A_86 : i32
    %while3A_88 = arith.constant 1 : i32
    %while3A_89 = scf.for %while3A_100 = %while3A to %while3A_87 step %while3A_88 iter_args(%while3A_101 = %while3A_81) -> (i32)  : i32 {
      %mul3A_102 = arith.constant 4 : i32
      %mul3A_103 = arith.muli %while3A_100, %mul3A_102 : i32
      %add3A_104 = arith.constant 0 : i32
      %add3A_105 = arith.addi %mul3A_103, %add3A_104 : i32
      %ge3A = arith.constant 2 : i32
      %ge3A_106 = arith.cmpi sge, %add3A_105, %ge3A : i32
      %sub3A_107 = arith.constant 2 : i32
      %sub3A_108 = arith.subi %add3A_105, %sub3A_107 : i32
      %lt3A_109 = arith.cmpi slt, %sub3A_108, %select_n3A : i32
      %and3A_110 = arith.andi %ge3A_106, %lt3A_109 : i1
      %convert_element_type3A_111 = arith.extui %and3A_110 : i1 to i32
      %cond3A = arith.constant 0 : i32
      %cond3A_112 = arith.cmpi ne, %convert_element_type3A_111, %cond3A : i32
      scf.if %cond3A_112 {
        %dma_wait3A = arith.constant 0 : i32
        %dma_wait3A_193 = tpu.memref_slice %arg14[%dma_wait3A] : memref<100352xf32, #tpu.memory_space<vmem_shared>> -> memref<100352xf32, #tpu.memory_space<vmem_shared>>
        tpu.wait_indirect_dma semaphore(%arg21 : memref<!tpu.dma_semaphore, #tpu.memory_space<semaphore_mem>>) src(%arg11 : memref<2048xf32, #tpu.memory_space<vmem>>) dst(%dma_wait3A_193 : memref<100352xf32, #tpu.memory_space<vmem_shared>>)
      } else {
      }
      %add3A_113 = arith.constant 2 : i32
      %add3A_114 = arith.addi %add3A_105, %add3A_113 : i32
      %lt3A_115 = arith.cmpi slt, %add3A_114, %select_n3A : i32
      %convert_element_type3A_116 = arith.extui %lt3A_115 : i1 to i32
      %cond3A_117 = arith.constant 0 : i32
      %cond3A_118 = arith.cmpi ne, %convert_element_type3A_116, %cond3A_117 : i32
      scf.if %cond3A_118 {
        %add3A_193 = arith.constant 2 : i32
        %add3A_194 = arith.addi %add3A_105, %add3A_193 : i32
        %mul3A_195 = arith.constant 16 : i32
        %mul3A_196 = arith.muli %add3A_194, %mul3A_195 : i32
        %add3A_197 = arith.addi %mul3A_14, %mul3A_196 : i32
        %mul3A_198 = arith.constant 128 : i32
        %mul3A_199 = arith.muli %add3A_197, %mul3A_198 : i32
        %add3A_200 = arith.constant 6400000 : i32
        %add3A_201 = arith.addi %add3A_200, %mul3A_199 : i32
        %dma_start3A_202 = tpu.memref_slice %arg2[%add3A_201] : memref<12800000xi32, #tpu.memory_space<hbm>> -> memref<2048xi32, #tpu.memory_space<hbm>>
        %dma_start3A_203 = tpu.memref_slice %arg2[%add3A_201] : memref<12800000xi32, #tpu.memory_space<hbm>> -> memref<2048xi32, #tpu.memory_space<hbm>>
        tpu.enqueue_dma source(%dma_start3A_203 : memref<2048xi32, #tpu.memory_space<hbm>>) target(%arg7 : memref<2048xi32, #tpu.memory_space<vmem>>) target_semaphore(%arg17 : memref<!tpu.dma_semaphore, #tpu.memory_space<semaphore_mem>>)
        %dma_start3A_204 = tpu.memref_slice %arg3[%mul3A_199] : memref<6400000xf32, #tpu.memory_space<hbm>> -> memref<2048xf32, #tpu.memory_space<hbm>>
        %dma_start3A_205 = tpu.memref_slice %arg3[%mul3A_199] : memref<6400000xf32, #tpu.memory_space<hbm>> -> memref<2048xf32, #tpu.memory_space<hbm>>
        tpu.enqueue_dma source(%dma_start3A_205 : memref<2048xf32, #tpu.memory_space<hbm>>) target(%arg11 : memref<2048xf32, #tpu.memory_space<vmem>>) target_semaphore(%arg17 : memref<!tpu.dma_semaphore, #tpu.memory_space<semaphore_mem>>)
      } else {
      }
      %lt3A_119 = arith.cmpi slt, %add3A_105, %select_n3A : i32
      %convert_element_type3A_120 = arith.extui %lt3A_119 : i1 to i32
      %cond3A_121 = arith.constant 0 : i32
      %cond3A_122 = arith.cmpi ne, %convert_element_type3A_120, %cond3A_121 : i32
      scf.if %cond3A_122 {
        %dma_wait3A = arith.constant 0 : i32
        %dma_wait3A_193 = tpu.memref_slice %arg2[%dma_wait3A] : memref<12800000xi32, #tpu.memory_space<hbm>> -> memref<2048xi32, #tpu.memory_space<hbm>>
        %dma_wait3A_194 = arith.constant 0 : i32
        %dma_wait3A_195 = tpu.memref_slice %arg2[%dma_wait3A_194] : memref<12800000xi32, #tpu.memory_space<hbm>> -> memref<2048xi32, #tpu.memory_space<hbm>>
        tpu.wait_dma2 semaphore(%arg15 : memref<!tpu.dma_semaphore, #tpu.memory_space<semaphore_mem>>) src(%dma_wait3A_195 : memref<2048xi32, #tpu.memory_space<hbm>>) dst(%arg5 : memref<2048xi32, #tpu.memory_space<vmem>>)
        %dma_wait3A_196 = arith.constant 0 : i32
        %dma_wait3A_197 = tpu.memref_slice %arg3[%dma_wait3A_196] : memref<6400000xf32, #tpu.memory_space<hbm>> -> memref<2048xf32, #tpu.memory_space<hbm>>
        %dma_wait3A_198 = arith.constant 0 : i32
        %dma_wait3A_199 = tpu.memref_slice %arg3[%dma_wait3A_198] : memref<6400000xf32, #tpu.memory_space<hbm>> -> memref<2048xf32, #tpu.memory_space<hbm>>
        tpu.wait_dma2 semaphore(%arg15 : memref<!tpu.dma_semaphore, #tpu.memory_space<semaphore_mem>>) src(%dma_wait3A_199 : memref<2048xf32, #tpu.memory_space<hbm>>) dst(%arg9 : memref<2048xf32, #tpu.memory_space<vmem>>)
        %dma_start3A_200 = arith.constant 0 : i32
        %dma_start3A_201 = tpu.memref_slice %arg14[%dma_start3A_200] : memref<100352xf32, #tpu.memory_space<vmem_shared>> -> memref<100352xf32, #tpu.memory_space<vmem_shared>>
        tpu.enqueue_indirect_dma source(%arg9 : memref<2048xf32, #tpu.memory_space<vmem>>) target(%dma_start3A_201 : memref<100352xf32, #tpu.memory_space<vmem_shared>>) offsets(%arg5 : memref<2048xi32, #tpu.memory_space<vmem>>) semaphore(%arg19 : memref<!tpu.dma_semaphore, #tpu.memory_space<semaphore_mem>>) {add = true}
      } else {
      }
      %mul3A_123 = arith.constant 4 : i32
      %mul3A_124 = arith.muli %while3A_100, %mul3A_123 : i32
      %add3A_125 = arith.constant 1 : i32
      %add3A_126 = arith.addi %mul3A_124, %add3A_125 : i32
      %ge3A_127 = arith.constant 2 : i32
      %ge3A_128 = arith.cmpi sge, %add3A_126, %ge3A_127 : i32
      %sub3A_129 = arith.constant 2 : i32
      %sub3A_130 = arith.subi %add3A_126, %sub3A_129 : i32
      %lt3A_131 = arith.cmpi slt, %sub3A_130, %select_n3A : i32
      %and3A_132 = arith.andi %ge3A_128, %lt3A_131 : i1
      %convert_element_type3A_133 = arith.extui %and3A_132 : i1 to i32
      %cond3A_134 = arith.constant 0 : i32
      %cond3A_135 = arith.cmpi ne, %convert_element_type3A_133, %cond3A_134 : i32
      scf.if %cond3A_135 {
        %dma_wait3A = arith.constant 0 : i32
        %dma_wait3A_193 = tpu.memref_slice %arg14[%dma_wait3A] : memref<100352xf32, #tpu.memory_space<vmem_shared>> -> memref<100352xf32, #tpu.memory_space<vmem_shared>>
        tpu.wait_indirect_dma semaphore(%arg22 : memref<!tpu.dma_semaphore, #tpu.memory_space<semaphore_mem>>) src(%arg12 : memref<2048xf32, #tpu.memory_space<vmem>>) dst(%dma_wait3A_193 : memref<100352xf32, #tpu.memory_space<vmem_shared>>)
      } else {
      }
      %add3A_136 = arith.constant 2 : i32
      %add3A_137 = arith.addi %add3A_126, %add3A_136 : i32
      %lt3A_138 = arith.cmpi slt, %add3A_137, %select_n3A : i32
      %convert_element_type3A_139 = arith.extui %lt3A_138 : i1 to i32
      %cond3A_140 = arith.constant 0 : i32
      %cond3A_141 = arith.cmpi ne, %convert_element_type3A_139, %cond3A_140 : i32
      scf.if %cond3A_141 {
        %add3A_193 = arith.constant 2 : i32
        %add3A_194 = arith.addi %add3A_126, %add3A_193 : i32
        %mul3A_195 = arith.constant 16 : i32
        %mul3A_196 = arith.muli %add3A_194, %mul3A_195 : i32
        %add3A_197 = arith.addi %mul3A_14, %mul3A_196 : i32
        %mul3A_198 = arith.constant 128 : i32
        %mul3A_199 = arith.muli %add3A_197, %mul3A_198 : i32
        %add3A_200 = arith.constant 6400000 : i32
        %add3A_201 = arith.addi %add3A_200, %mul3A_199 : i32
        %dma_start3A_202 = tpu.memref_slice %arg2[%add3A_201] : memref<12800000xi32, #tpu.memory_space<hbm>> -> memref<2048xi32, #tpu.memory_space<hbm>>
        %dma_start3A_203 = tpu.memref_slice %arg2[%add3A_201] : memref<12800000xi32, #tpu.memory_space<hbm>> -> memref<2048xi32, #tpu.memory_space<hbm>>
        tpu.enqueue_dma source(%dma_start3A_203 : memref<2048xi32, #tpu.memory_space<hbm>>) target(%arg8 : memref<2048xi32, #tpu.memory_space<vmem>>) target_semaphore(%arg18 : memref<!tpu.dma_semaphore, #tpu.memory_space<semaphore_mem>>)
        %dma_start3A_204 = tpu.memref_slice %arg3[%mul3A_199] : memref<6400000xf32, #tpu.memory_space<hbm>> -> memref<2048xf32, #tpu.memory_space<hbm>>
        %dma_start3A_205 = tpu.memref_slice %arg3[%mul3A_199] : memref<6400000xf32, #tpu.memory_space<hbm>> -> memref<2048xf32, #tpu.memory_space<hbm>>
        tpu.enqueue_dma source(%dma_start3A_205 : memref<2048xf32, #tpu.memory_space<hbm>>) target(%arg12 : memref<2048xf32, #tpu.memory_space<vmem>>) target_semaphore(%arg18 : memref<!tpu.dma_semaphore, #tpu.memory_space<semaphore_mem>>)
      } else {
      }
      %lt3A_142 = arith.cmpi slt, %add3A_126, %select_n3A : i32
      %convert_element_type3A_143 = arith.extui %lt3A_142 : i1 to i32
      %cond3A_144 = arith.constant 0 : i32
      %cond3A_145 = arith.cmpi ne, %convert_element_type3A_143, %cond3A_144 : i32
      scf.if %cond3A_145 {
        %dma_wait3A = arith.constant 0 : i32
        %dma_wait3A_193 = tpu.memref_slice %arg2[%dma_wait3A] : memref<12800000xi32, #tpu.memory_space<hbm>> -> memref<2048xi32, #tpu.memory_space<hbm>>
        %dma_wait3A_194 = arith.constant 0 : i32
        %dma_wait3A_195 = tpu.memref_slice %arg2[%dma_wait3A_194] : memref<12800000xi32, #tpu.memory_space<hbm>> -> memref<2048xi32, #tpu.memory_space<hbm>>
        tpu.wait_dma2 semaphore(%arg16 : memref<!tpu.dma_semaphore, #tpu.memory_space<semaphore_mem>>) src(%dma_wait3A_195 : memref<2048xi32, #tpu.memory_space<hbm>>) dst(%arg6 : memref<2048xi32, #tpu.memory_space<vmem>>)
        %dma_wait3A_196 = arith.constant 0 : i32
        %dma_wait3A_197 = tpu.memref_slice %arg3[%dma_wait3A_196] : memref<6400000xf32, #tpu.memory_space<hbm>> -> memref<2048xf32, #tpu.memory_space<hbm>>
        %dma_wait3A_198 = arith.constant 0 : i32
        %dma_wait3A_199 = tpu.memref_slice %arg3[%dma_wait3A_198] : memref<6400000xf32, #tpu.memory_space<hbm>> -> memref<2048xf32, #tpu.memory_space<hbm>>
        tpu.wait_dma2 semaphore(%arg16 : memref<!tpu.dma_semaphore, #tpu.memory_space<semaphore_mem>>) src(%dma_wait3A_199 : memref<2048xf32, #tpu.memory_space<hbm>>) dst(%arg10 : memref<2048xf32, #tpu.memory_space<vmem>>)
        %dma_start3A_200 = arith.constant 0 : i32
        %dma_start3A_201 = tpu.memref_slice %arg14[%dma_start3A_200] : memref<100352xf32, #tpu.memory_space<vmem_shared>> -> memref<100352xf32, #tpu.memory_space<vmem_shared>>
        tpu.enqueue_indirect_dma source(%arg10 : memref<2048xf32, #tpu.memory_space<vmem>>) target(%dma_start3A_201 : memref<100352xf32, #tpu.memory_space<vmem_shared>>) offsets(%arg6 : memref<2048xi32, #tpu.memory_space<vmem>>) semaphore(%arg20 : memref<!tpu.dma_semaphore, #tpu.memory_space<semaphore_mem>>) {add = true}
      } else {
      }
      %mul3A_146 = arith.constant 4 : i32
      %mul3A_147 = arith.muli %while3A_100, %mul3A_146 : i32
      %add3A_148 = arith.constant 2 : i32
      %add3A_149 = arith.addi %mul3A_147, %add3A_148 : i32
      %ge3A_150 = arith.constant 2 : i32
      %ge3A_151 = arith.cmpi sge, %add3A_149, %ge3A_150 : i32
      %sub3A_152 = arith.constant 2 : i32
      %sub3A_153 = arith.subi %add3A_149, %sub3A_152 : i32
      %lt3A_154 = arith.cmpi slt, %sub3A_153, %select_n3A : i32
      %and3A_155 = arith.andi %ge3A_151, %lt3A_154 : i1
      %convert_element_type3A_156 = arith.extui %and3A_155 : i1 to i32
      %cond3A_157 = arith.constant 0 : i32
      %cond3A_158 = arith.cmpi ne, %convert_element_type3A_156, %cond3A_157 : i32
      scf.if %cond3A_158 {
        %dma_wait3A = arith.constant 0 : i32
        %dma_wait3A_193 = tpu.memref_slice %arg14[%dma_wait3A] : memref<100352xf32, #tpu.memory_space<vmem_shared>> -> memref<100352xf32, #tpu.memory_space<vmem_shared>>
        tpu.wait_indirect_dma semaphore(%arg19 : memref<!tpu.dma_semaphore, #tpu.memory_space<semaphore_mem>>) src(%arg9 : memref<2048xf32, #tpu.memory_space<vmem>>) dst(%dma_wait3A_193 : memref<100352xf32, #tpu.memory_space<vmem_shared>>)
      } else {
      }
      %add3A_159 = arith.constant 2 : i32
      %add3A_160 = arith.addi %add3A_149, %add3A_159 : i32
      %lt3A_161 = arith.cmpi slt, %add3A_160, %select_n3A : i32
      %convert_element_type3A_162 = arith.extui %lt3A_161 : i1 to i32
      %cond3A_163 = arith.constant 0 : i32
      %cond3A_164 = arith.cmpi ne, %convert_element_type3A_162, %cond3A_163 : i32
      scf.if %cond3A_164 {
        %add3A_193 = arith.constant 2 : i32
        %add3A_194 = arith.addi %add3A_149, %add3A_193 : i32
        %mul3A_195 = arith.constant 16 : i32
        %mul3A_196 = arith.muli %add3A_194, %mul3A_195 : i32
        %add3A_197 = arith.addi %mul3A_14, %mul3A_196 : i32
        %mul3A_198 = arith.constant 128 : i32
        %mul3A_199 = arith.muli %add3A_197, %mul3A_198 : i32
        %add3A_200 = arith.constant 6400000 : i32
        %add3A_201 = arith.addi %add3A_200, %mul3A_199 : i32
        %dma_start3A_202 = tpu.memref_slice %arg2[%add3A_201] : memref<12800000xi32, #tpu.memory_space<hbm>> -> memref<2048xi32, #tpu.memory_space<hbm>>
        %dma_start3A_203 = tpu.memref_slice %arg2[%add3A_201] : memref<12800000xi32, #tpu.memory_space<hbm>> -> memref<2048xi32, #tpu.memory_space<hbm>>
        tpu.enqueue_dma source(%dma_start3A_203 : memref<2048xi32, #tpu.memory_space<hbm>>) target(%arg5 : memref<2048xi32, #tpu.memory_space<vmem>>) target_semaphore(%arg15 : memref<!tpu.dma_semaphore, #tpu.memory_space<semaphore_mem>>)
        %dma_start3A_204 = tpu.memref_slice %arg3[%mul3A_199] : memref<6400000xf32, #tpu.memory_space<hbm>> -> memref<2048xf32, #tpu.memory_space<hbm>>
        %dma_start3A_205 = tpu.memref_slice %arg3[%mul3A_199] : memref<6400000xf32, #tpu.memory_space<hbm>> -> memref<2048xf32, #tpu.memory_space<hbm>>
        tpu.enqueue_dma source(%dma_start3A_205 : memref<2048xf32, #tpu.memory_space<hbm>>) target(%arg9 : memref<2048xf32, #tpu.memory_space<vmem>>) target_semaphore(%arg15 : memref<!tpu.dma_semaphore, #tpu.memory_space<semaphore_mem>>)
      } else {
      }
      %lt3A_165 = arith.cmpi slt, %add3A_149, %select_n3A : i32
      %convert_element_type3A_166 = arith.extui %lt3A_165 : i1 to i32
      %cond3A_167 = arith.constant 0 : i32
      %cond3A_168 = arith.cmpi ne, %convert_element_type3A_166, %cond3A_167 : i32
      scf.if %cond3A_168 {
        %dma_wait3A = arith.constant 0 : i32
        %dma_wait3A_193 = tpu.memref_slice %arg2[%dma_wait3A] : memref<12800000xi32, #tpu.memory_space<hbm>> -> memref<2048xi32, #tpu.memory_space<hbm>>
        %dma_wait3A_194 = arith.constant 0 : i32
        %dma_wait3A_195 = tpu.memref_slice %arg2[%dma_wait3A_194] : memref<12800000xi32, #tpu.memory_space<hbm>> -> memref<2048xi32, #tpu.memory_space<hbm>>
        tpu.wait_dma2 semaphore(%arg17 : memref<!tpu.dma_semaphore, #tpu.memory_space<semaphore_mem>>) src(%dma_wait3A_195 : memref<2048xi32, #tpu.memory_space<hbm>>) dst(%arg7 : memref<2048xi32, #tpu.memory_space<vmem>>)
        %dma_wait3A_196 = arith.constant 0 : i32
        %dma_wait3A_197 = tpu.memref_slice %arg3[%dma_wait3A_196] : memref<6400000xf32, #tpu.memory_space<hbm>> -> memref<2048xf32, #tpu.memory_space<hbm>>
        %dma_wait3A_198 = arith.constant 0 : i32
        %dma_wait3A_199 = tpu.memref_slice %arg3[%dma_wait3A_198] : memref<6400000xf32, #tpu.memory_space<hbm>> -> memref<2048xf32, #tpu.memory_space<hbm>>
        tpu.wait_dma2 semaphore(%arg17 : memref<!tpu.dma_semaphore, #tpu.memory_space<semaphore_mem>>) src(%dma_wait3A_199 : memref<2048xf32, #tpu.memory_space<hbm>>) dst(%arg11 : memref<2048xf32, #tpu.memory_space<vmem>>)
        %dma_start3A_200 = arith.constant 0 : i32
        %dma_start3A_201 = tpu.memref_slice %arg14[%dma_start3A_200] : memref<100352xf32, #tpu.memory_space<vmem_shared>> -> memref<100352xf32, #tpu.memory_space<vmem_shared>>
        tpu.enqueue_indirect_dma source(%arg11 : memref<2048xf32, #tpu.memory_space<vmem>>) target(%dma_start3A_201 : memref<100352xf32, #tpu.memory_space<vmem_shared>>) offsets(%arg7 : memref<2048xi32, #tpu.memory_space<vmem>>) semaphore(%arg21 : memref<!tpu.dma_semaphore, #tpu.memory_space<semaphore_mem>>) {add = true}
      } else {
      }
      %mul3A_169 = arith.constant 4 : i32
      %mul3A_170 = arith.muli %while3A_100, %mul3A_169 : i32
      %add3A_171 = arith.constant 3 : i32
      %add3A_172 = arith.addi %mul3A_170, %add3A_171 : i32
      %ge3A_173 = arith.constant 2 : i32
      %ge3A_174 = arith.cmpi sge, %add3A_172, %ge3A_173 : i32
      %sub3A_175 = arith.constant 2 : i32
      %sub3A_176 = arith.subi %add3A_172, %sub3A_175 : i32
      %lt3A_177 = arith.cmpi slt, %sub3A_176, %select_n3A : i32
      %and3A_178 = arith.andi %ge3A_174, %lt3A_177 : i1
      %convert_element_type3A_179 = arith.extui %and3A_178 : i1 to i32
      %cond3A_180 = arith.constant 0 : i32
      %cond3A_181 = arith.cmpi ne, %convert_element_type3A_179, %cond3A_180 : i32
      scf.if %cond3A_181 {
        %dma_wait3A = arith.constant 0 : i32
        %dma_wait3A_193 = tpu.memref_slice %arg14[%dma_wait3A] : memref<100352xf32, #tpu.memory_space<vmem_shared>> -> memref<100352xf32, #tpu.memory_space<vmem_shared>>
        tpu.wait_indirect_dma semaphore(%arg20 : memref<!tpu.dma_semaphore, #tpu.memory_space<semaphore_mem>>) src(%arg10 : memref<2048xf32, #tpu.memory_space<vmem>>) dst(%dma_wait3A_193 : memref<100352xf32, #tpu.memory_space<vmem_shared>>)
      } else {
      }
      %add3A_182 = arith.constant 2 : i32
      %add3A_183 = arith.addi %add3A_172, %add3A_182 : i32
      %lt3A_184 = arith.cmpi slt, %add3A_183, %select_n3A : i32
      %convert_element_type3A_185 = arith.extui %lt3A_184 : i1 to i32
      %cond3A_186 = arith.constant 0 : i32
      %cond3A_187 = arith.cmpi ne, %convert_element_type3A_185, %cond3A_186 : i32
      scf.if %cond3A_187 {
        %add3A_193 = arith.constant 2 : i32
        %add3A_194 = arith.addi %add3A_172, %add3A_193 : i32
        %mul3A_195 = arith.constant 16 : i32
        %mul3A_196 = arith.muli %add3A_194, %mul3A_195 : i32
        %add3A_197 = arith.addi %mul3A_14, %mul3A_196 : i32
        %mul3A_198 = arith.constant 128 : i32
        %mul3A_199 = arith.muli %add3A_197, %mul3A_198 : i32
        %add3A_200 = arith.constant 6400000 : i32
        %add3A_201 = arith.addi %add3A_200, %mul3A_199 : i32
        %dma_start3A_202 = tpu.memref_slice %arg2[%add3A_201] : memref<12800000xi32, #tpu.memory_space<hbm>> -> memref<2048xi32, #tpu.memory_space<hbm>>
        %dma_start3A_203 = tpu.memref_slice %arg2[%add3A_201] : memref<12800000xi32, #tpu.memory_space<hbm>> -> memref<2048xi32, #tpu.memory_space<hbm>>
        tpu.enqueue_dma source(%dma_start3A_203 : memref<2048xi32, #tpu.memory_space<hbm>>) target(%arg6 : memref<2048xi32, #tpu.memory_space<vmem>>) target_semaphore(%arg16 : memref<!tpu.dma_semaphore, #tpu.memory_space<semaphore_mem>>)
        %dma_start3A_204 = tpu.memref_slice %arg3[%mul3A_199] : memref<6400000xf32, #tpu.memory_space<hbm>> -> memref<2048xf32, #tpu.memory_space<hbm>>
        %dma_start3A_205 = tpu.memref_slice %arg3[%mul3A_199] : memref<6400000xf32, #tpu.memory_space<hbm>> -> memref<2048xf32, #tpu.memory_space<hbm>>
        tpu.enqueue_dma source(%dma_start3A_205 : memref<2048xf32, #tpu.memory_space<hbm>>) target(%arg10 : memref<2048xf32, #tpu.memory_space<vmem>>) target_semaphore(%arg16 : memref<!tpu.dma_semaphore, #tpu.memory_space<semaphore_mem>>)
      } else {
      }
      %lt3A_188 = arith.cmpi slt, %add3A_172, %select_n3A : i32
      %convert_element_type3A_189 = arith.extui %lt3A_188 : i1 to i32
      %cond3A_190 = arith.constant 0 : i32
      %cond3A_191 = arith.cmpi ne, %convert_element_type3A_189, %cond3A_190 : i32
      scf.if %cond3A_191 {
        %dma_wait3A = arith.constant 0 : i32
        %dma_wait3A_193 = tpu.memref_slice %arg2[%dma_wait3A] : memref<12800000xi32, #tpu.memory_space<hbm>> -> memref<2048xi32, #tpu.memory_space<hbm>>
        %dma_wait3A_194 = arith.constant 0 : i32
        %dma_wait3A_195 = tpu.memref_slice %arg2[%dma_wait3A_194] : memref<12800000xi32, #tpu.memory_space<hbm>> -> memref<2048xi32, #tpu.memory_space<hbm>>
        tpu.wait_dma2 semaphore(%arg18 : memref<!tpu.dma_semaphore, #tpu.memory_space<semaphore_mem>>) src(%dma_wait3A_195 : memref<2048xi32, #tpu.memory_space<hbm>>) dst(%arg8 : memref<2048xi32, #tpu.memory_space<vmem>>)
        %dma_wait3A_196 = arith.constant 0 : i32
        %dma_wait3A_197 = tpu.memref_slice %arg3[%dma_wait3A_196] : memref<6400000xf32, #tpu.memory_space<hbm>> -> memref<2048xf32, #tpu.memory_space<hbm>>
        %dma_wait3A_198 = arith.constant 0 : i32
        %dma_wait3A_199 = tpu.memref_slice %arg3[%dma_wait3A_198] : memref<6400000xf32, #tpu.memory_space<hbm>> -> memref<2048xf32, #tpu.memory_space<hbm>>
        tpu.wait_dma2 semaphore(%arg18 : memref<!tpu.dma_semaphore, #tpu.memory_space<semaphore_mem>>) src(%dma_wait3A_199 : memref<2048xf32, #tpu.memory_space<hbm>>) dst(%arg12 : memref<2048xf32, #tpu.memory_space<vmem>>)
        %dma_start3A_200 = arith.constant 0 : i32
        %dma_start3A_201 = tpu.memref_slice %arg14[%dma_start3A_200] : memref<100352xf32, #tpu.memory_space<vmem_shared>> -> memref<100352xf32, #tpu.memory_space<vmem_shared>>
        tpu.enqueue_indirect_dma source(%arg12 : memref<2048xf32, #tpu.memory_space<vmem>>) target(%dma_start3A_201 : memref<100352xf32, #tpu.memory_space<vmem_shared>>) offsets(%arg8 : memref<2048xi32, #tpu.memory_space<vmem>>) semaphore(%arg22 : memref<!tpu.dma_semaphore, #tpu.memory_space<semaphore_mem>>) {add = true}
      } else {
      }
      %while3A_192 = arith.constant 0 : i32
      scf.yield %while3A_192 : i32
    }
    %while3A_90 = arith.constant 1 : i32
    %while3A_91 = scf.for %while3A_100 = %while3A_87 to %while3A_83 step %while3A_90 iter_args(%while3A_101 = %while3A_89) -> (i32)  : i32 {
      %mul3A_102 = arith.constant 4 : i32
      %mul3A_103 = arith.muli %while3A_100, %mul3A_102 : i32
      %add3A_104 = arith.constant 0 : i32
      %add3A_105 = arith.addi %mul3A_103, %add3A_104 : i32
      %ge3A = arith.constant 2 : i32
      %ge3A_106 = arith.cmpi sge, %add3A_105, %ge3A : i32
      %sub3A_107 = arith.constant 2 : i32
      %sub3A_108 = arith.subi %add3A_105, %sub3A_107 : i32
      %lt3A_109 = arith.cmpi slt, %sub3A_108, %select_n3A : i32
      %and3A_110 = arith.andi %ge3A_106, %lt3A_109 : i1
      %convert_element_type3A_111 = arith.extui %and3A_110 : i1 to i32
      %cond3A = arith.constant 0 : i32
      %cond3A_112 = arith.cmpi ne, %convert_element_type3A_111, %cond3A : i32
      scf.if %cond3A_112 {
        %dma_wait3A = arith.constant 0 : i32
        %dma_wait3A_193 = tpu.memref_slice %arg14[%dma_wait3A] : memref<100352xf32, #tpu.memory_space<vmem_shared>> -> memref<100352xf32, #tpu.memory_space<vmem_shared>>
        tpu.wait_indirect_dma semaphore(%arg21 : memref<!tpu.dma_semaphore, #tpu.memory_space<semaphore_mem>>) src(%arg11 : memref<2048xf32, #tpu.memory_space<vmem>>) dst(%dma_wait3A_193 : memref<100352xf32, #tpu.memory_space<vmem_shared>>)
      } else {
      }
      %add3A_113 = arith.constant 2 : i32
      %add3A_114 = arith.addi %add3A_105, %add3A_113 : i32
      %lt3A_115 = arith.cmpi slt, %add3A_114, %select_n3A : i32
      %convert_element_type3A_116 = arith.extui %lt3A_115 : i1 to i32
      %cond3A_117 = arith.constant 0 : i32
      %cond3A_118 = arith.cmpi ne, %convert_element_type3A_116, %cond3A_117 : i32
      scf.if %cond3A_118 {
        %add3A_193 = arith.constant 2 : i32
        %add3A_194 = arith.addi %add3A_105, %add3A_193 : i32
        %mul3A_195 = arith.constant 16 : i32
        %mul3A_196 = arith.muli %add3A_194, %mul3A_195 : i32
        %add3A_197 = arith.addi %mul3A_14, %mul3A_196 : i32
        %mul3A_198 = arith.constant 128 : i32
        %mul3A_199 = arith.muli %add3A_197, %mul3A_198 : i32
        %add3A_200 = arith.constant 6400000 : i32
        %add3A_201 = arith.addi %add3A_200, %mul3A_199 : i32
        %dma_start3A_202 = tpu.memref_slice %arg2[%add3A_201] : memref<12800000xi32, #tpu.memory_space<hbm>> -> memref<2048xi32, #tpu.memory_space<hbm>>
        %dma_start3A_203 = tpu.memref_slice %arg2[%add3A_201] : memref<12800000xi32, #tpu.memory_space<hbm>> -> memref<2048xi32, #tpu.memory_space<hbm>>
        tpu.enqueue_dma source(%dma_start3A_203 : memref<2048xi32, #tpu.memory_space<hbm>>) target(%arg7 : memref<2048xi32, #tpu.memory_space<vmem>>) target_semaphore(%arg17 : memref<!tpu.dma_semaphore, #tpu.memory_space<semaphore_mem>>)
        %dma_start3A_204 = tpu.memref_slice %arg3[%mul3A_199] : memref<6400000xf32, #tpu.memory_space<hbm>> -> memref<2048xf32, #tpu.memory_space<hbm>>
        %dma_start3A_205 = tpu.memref_slice %arg3[%mul3A_199] : memref<6400000xf32, #tpu.memory_space<hbm>> -> memref<2048xf32, #tpu.memory_space<hbm>>
        tpu.enqueue_dma source(%dma_start3A_205 : memref<2048xf32, #tpu.memory_space<hbm>>) target(%arg11 : memref<2048xf32, #tpu.memory_space<vmem>>) target_semaphore(%arg17 : memref<!tpu.dma_semaphore, #tpu.memory_space<semaphore_mem>>)
      } else {
      }
      %lt3A_119 = arith.cmpi slt, %add3A_105, %select_n3A : i32
      %convert_element_type3A_120 = arith.extui %lt3A_119 : i1 to i32
      %cond3A_121 = arith.constant 0 : i32
      %cond3A_122 = arith.cmpi ne, %convert_element_type3A_120, %cond3A_121 : i32
      scf.if %cond3A_122 {
        %dma_wait3A = arith.constant 0 : i32
        %dma_wait3A_193 = tpu.memref_slice %arg2[%dma_wait3A] : memref<12800000xi32, #tpu.memory_space<hbm>> -> memref<2048xi32, #tpu.memory_space<hbm>>
        %dma_wait3A_194 = arith.constant 0 : i32
        %dma_wait3A_195 = tpu.memref_slice %arg2[%dma_wait3A_194] : memref<12800000xi32, #tpu.memory_space<hbm>> -> memref<2048xi32, #tpu.memory_space<hbm>>
        tpu.wait_dma2 semaphore(%arg15 : memref<!tpu.dma_semaphore, #tpu.memory_space<semaphore_mem>>) src(%dma_wait3A_195 : memref<2048xi32, #tpu.memory_space<hbm>>) dst(%arg5 : memref<2048xi32, #tpu.memory_space<vmem>>)
        %dma_wait3A_196 = arith.constant 0 : i32
        %dma_wait3A_197 = tpu.memref_slice %arg3[%dma_wait3A_196] : memref<6400000xf32, #tpu.memory_space<hbm>> -> memref<2048xf32, #tpu.memory_space<hbm>>
        %dma_wait3A_198 = arith.constant 0 : i32
        %dma_wait3A_199 = tpu.memref_slice %arg3[%dma_wait3A_198] : memref<6400000xf32, #tpu.memory_space<hbm>> -> memref<2048xf32, #tpu.memory_space<hbm>>
        tpu.wait_dma2 semaphore(%arg15 : memref<!tpu.dma_semaphore, #tpu.memory_space<semaphore_mem>>) src(%dma_wait3A_199 : memref<2048xf32, #tpu.memory_space<hbm>>) dst(%arg9 : memref<2048xf32, #tpu.memory_space<vmem>>)
        %dma_start3A_200 = arith.constant 0 : i32
        %dma_start3A_201 = tpu.memref_slice %arg14[%dma_start3A_200] : memref<100352xf32, #tpu.memory_space<vmem_shared>> -> memref<100352xf32, #tpu.memory_space<vmem_shared>>
        tpu.enqueue_indirect_dma source(%arg9 : memref<2048xf32, #tpu.memory_space<vmem>>) target(%dma_start3A_201 : memref<100352xf32, #tpu.memory_space<vmem_shared>>) offsets(%arg5 : memref<2048xi32, #tpu.memory_space<vmem>>) semaphore(%arg19 : memref<!tpu.dma_semaphore, #tpu.memory_space<semaphore_mem>>) {add = true}
      } else {
      }
      %mul3A_123 = arith.constant 4 : i32
      %mul3A_124 = arith.muli %while3A_100, %mul3A_123 : i32
      %add3A_125 = arith.constant 1 : i32
      %add3A_126 = arith.addi %mul3A_124, %add3A_125 : i32
      %ge3A_127 = arith.constant 2 : i32
      %ge3A_128 = arith.cmpi sge, %add3A_126, %ge3A_127 : i32
      %sub3A_129 = arith.constant 2 : i32
      %sub3A_130 = arith.subi %add3A_126, %sub3A_129 : i32
      %lt3A_131 = arith.cmpi slt, %sub3A_130, %select_n3A : i32
      %and3A_132 = arith.andi %ge3A_128, %lt3A_131 : i1
      %convert_element_type3A_133 = arith.extui %and3A_132 : i1 to i32
      %cond3A_134 = arith.constant 0 : i32
      %cond3A_135 = arith.cmpi ne, %convert_element_type3A_133, %cond3A_134 : i32
      scf.if %cond3A_135 {
        %dma_wait3A = arith.constant 0 : i32
        %dma_wait3A_193 = tpu.memref_slice %arg14[%dma_wait3A] : memref<100352xf32, #tpu.memory_space<vmem_shared>> -> memref<100352xf32, #tpu.memory_space<vmem_shared>>
        tpu.wait_indirect_dma semaphore(%arg22 : memref<!tpu.dma_semaphore, #tpu.memory_space<semaphore_mem>>) src(%arg12 : memref<2048xf32, #tpu.memory_space<vmem>>) dst(%dma_wait3A_193 : memref<100352xf32, #tpu.memory_space<vmem_shared>>)
      } else {
      }
      %add3A_136 = arith.constant 2 : i32
      %add3A_137 = arith.addi %add3A_126, %add3A_136 : i32
      %lt3A_138 = arith.cmpi slt, %add3A_137, %select_n3A : i32
      %convert_element_type3A_139 = arith.extui %lt3A_138 : i1 to i32
      %cond3A_140 = arith.constant 0 : i32
      %cond3A_141 = arith.cmpi ne, %convert_element_type3A_139, %cond3A_140 : i32
      scf.if %cond3A_141 {
        %add3A_193 = arith.constant 2 : i32
        %add3A_194 = arith.addi %add3A_126, %add3A_193 : i32
        %mul3A_195 = arith.constant 16 : i32
        %mul3A_196 = arith.muli %add3A_194, %mul3A_195 : i32
        %add3A_197 = arith.addi %mul3A_14, %mul3A_196 : i32
        %mul3A_198 = arith.constant 128 : i32
        %mul3A_199 = arith.muli %add3A_197, %mul3A_198 : i32
        %add3A_200 = arith.constant 6400000 : i32
        %add3A_201 = arith.addi %add3A_200, %mul3A_199 : i32
        %dma_start3A_202 = tpu.memref_slice %arg2[%add3A_201] : memref<12800000xi32, #tpu.memory_space<hbm>> -> memref<2048xi32, #tpu.memory_space<hbm>>
        %dma_start3A_203 = tpu.memref_slice %arg2[%add3A_201] : memref<12800000xi32, #tpu.memory_space<hbm>> -> memref<2048xi32, #tpu.memory_space<hbm>>
        tpu.enqueue_dma source(%dma_start3A_203 : memref<2048xi32, #tpu.memory_space<hbm>>) target(%arg8 : memref<2048xi32, #tpu.memory_space<vmem>>) target_semaphore(%arg18 : memref<!tpu.dma_semaphore, #tpu.memory_space<semaphore_mem>>)
        %dma_start3A_204 = tpu.memref_slice %arg3[%mul3A_199] : memref<6400000xf32, #tpu.memory_space<hbm>> -> memref<2048xf32, #tpu.memory_space<hbm>>
        %dma_start3A_205 = tpu.memref_slice %arg3[%mul3A_199] : memref<6400000xf32, #tpu.memory_space<hbm>> -> memref<2048xf32, #tpu.memory_space<hbm>>
        tpu.enqueue_dma source(%dma_start3A_205 : memref<2048xf32, #tpu.memory_space<hbm>>) target(%arg12 : memref<2048xf32, #tpu.memory_space<vmem>>) target_semaphore(%arg18 : memref<!tpu.dma_semaphore, #tpu.memory_space<semaphore_mem>>)
      } else {
      }
      %lt3A_142 = arith.cmpi slt, %add3A_126, %select_n3A : i32
      %convert_element_type3A_143 = arith.extui %lt3A_142 : i1 to i32
      %cond3A_144 = arith.constant 0 : i32
      %cond3A_145 = arith.cmpi ne, %convert_element_type3A_143, %cond3A_144 : i32
      scf.if %cond3A_145 {
        %dma_wait3A = arith.constant 0 : i32
        %dma_wait3A_193 = tpu.memref_slice %arg2[%dma_wait3A] : memref<12800000xi32, #tpu.memory_space<hbm>> -> memref<2048xi32, #tpu.memory_space<hbm>>
        %dma_wait3A_194 = arith.constant 0 : i32
        %dma_wait3A_195 = tpu.memref_slice %arg2[%dma_wait3A_194] : memref<12800000xi32, #tpu.memory_space<hbm>> -> memref<2048xi32, #tpu.memory_space<hbm>>
        tpu.wait_dma2 semaphore(%arg16 : memref<!tpu.dma_semaphore, #tpu.memory_space<semaphore_mem>>) src(%dma_wait3A_195 : memref<2048xi32, #tpu.memory_space<hbm>>) dst(%arg6 : memref<2048xi32, #tpu.memory_space<vmem>>)
        %dma_wait3A_196 = arith.constant 0 : i32
        %dma_wait3A_197 = tpu.memref_slice %arg3[%dma_wait3A_196] : memref<6400000xf32, #tpu.memory_space<hbm>> -> memref<2048xf32, #tpu.memory_space<hbm>>
        %dma_wait3A_198 = arith.constant 0 : i32
        %dma_wait3A_199 = tpu.memref_slice %arg3[%dma_wait3A_198] : memref<6400000xf32, #tpu.memory_space<hbm>> -> memref<2048xf32, #tpu.memory_space<hbm>>
        tpu.wait_dma2 semaphore(%arg16 : memref<!tpu.dma_semaphore, #tpu.memory_space<semaphore_mem>>) src(%dma_wait3A_199 : memref<2048xf32, #tpu.memory_space<hbm>>) dst(%arg10 : memref<2048xf32, #tpu.memory_space<vmem>>)
        %dma_start3A_200 = arith.constant 0 : i32
        %dma_start3A_201 = tpu.memref_slice %arg14[%dma_start3A_200] : memref<100352xf32, #tpu.memory_space<vmem_shared>> -> memref<100352xf32, #tpu.memory_space<vmem_shared>>
        tpu.enqueue_indirect_dma source(%arg10 : memref<2048xf32, #tpu.memory_space<vmem>>) target(%dma_start3A_201 : memref<100352xf32, #tpu.memory_space<vmem_shared>>) offsets(%arg6 : memref<2048xi32, #tpu.memory_space<vmem>>) semaphore(%arg20 : memref<!tpu.dma_semaphore, #tpu.memory_space<semaphore_mem>>) {add = true}
      } else {
      }
      %mul3A_146 = arith.constant 4 : i32
      %mul3A_147 = arith.muli %while3A_100, %mul3A_146 : i32
      %add3A_148 = arith.constant 2 : i32
      %add3A_149 = arith.addi %mul3A_147, %add3A_148 : i32
      %ge3A_150 = arith.constant 2 : i32
      %ge3A_151 = arith.cmpi sge, %add3A_149, %ge3A_150 : i32
      %sub3A_152 = arith.constant 2 : i32
      %sub3A_153 = arith.subi %add3A_149, %sub3A_152 : i32
      %lt3A_154 = arith.cmpi slt, %sub3A_153, %select_n3A : i32
      %and3A_155 = arith.andi %ge3A_151, %lt3A_154 : i1
      %convert_element_type3A_156 = arith.extui %and3A_155 : i1 to i32
      %cond3A_157 = arith.constant 0 : i32
      %cond3A_158 = arith.cmpi ne, %convert_element_type3A_156, %cond3A_157 : i32
      scf.if %cond3A_158 {
        %dma_wait3A = arith.constant 0 : i32
        %dma_wait3A_193 = tpu.memref_slice %arg14[%dma_wait3A] : memref<100352xf32, #tpu.memory_space<vmem_shared>> -> memref<100352xf32, #tpu.memory_space<vmem_shared>>
        tpu.wait_indirect_dma semaphore(%arg19 : memref<!tpu.dma_semaphore, #tpu.memory_space<semaphore_mem>>) src(%arg9 : memref<2048xf32, #tpu.memory_space<vmem>>) dst(%dma_wait3A_193 : memref<100352xf32, #tpu.memory_space<vmem_shared>>)
      } else {
      }
      %add3A_159 = arith.constant 2 : i32
      %add3A_160 = arith.addi %add3A_149, %add3A_159 : i32
      %lt3A_161 = arith.cmpi slt, %add3A_160, %select_n3A : i32
      %convert_element_type3A_162 = arith.extui %lt3A_161 : i1 to i32
      %cond3A_163 = arith.constant 0 : i32
      %cond3A_164 = arith.cmpi ne, %convert_element_type3A_162, %cond3A_163 : i32
      scf.if %cond3A_164 {
        %add3A_193 = arith.constant 2 : i32
        %add3A_194 = arith.addi %add3A_149, %add3A_193 : i32
        %mul3A_195 = arith.constant 16 : i32
        %mul3A_196 = arith.muli %add3A_194, %mul3A_195 : i32
        %add3A_197 = arith.addi %mul3A_14, %mul3A_196 : i32
        %mul3A_198 = arith.constant 128 : i32
        %mul3A_199 = arith.muli %add3A_197, %mul3A_198 : i32
        %add3A_200 = arith.constant 6400000 : i32
        %add3A_201 = arith.addi %add3A_200, %mul3A_199 : i32
        %dma_start3A_202 = tpu.memref_slice %arg2[%add3A_201] : memref<12800000xi32, #tpu.memory_space<hbm>> -> memref<2048xi32, #tpu.memory_space<hbm>>
        %dma_start3A_203 = tpu.memref_slice %arg2[%add3A_201] : memref<12800000xi32, #tpu.memory_space<hbm>> -> memref<2048xi32, #tpu.memory_space<hbm>>
        tpu.enqueue_dma source(%dma_start3A_203 : memref<2048xi32, #tpu.memory_space<hbm>>) target(%arg5 : memref<2048xi32, #tpu.memory_space<vmem>>) target_semaphore(%arg15 : memref<!tpu.dma_semaphore, #tpu.memory_space<semaphore_mem>>)
        %dma_start3A_204 = tpu.memref_slice %arg3[%mul3A_199] : memref<6400000xf32, #tpu.memory_space<hbm>> -> memref<2048xf32, #tpu.memory_space<hbm>>
        %dma_start3A_205 = tpu.memref_slice %arg3[%mul3A_199] : memref<6400000xf32, #tpu.memory_space<hbm>> -> memref<2048xf32, #tpu.memory_space<hbm>>
        tpu.enqueue_dma source(%dma_start3A_205 : memref<2048xf32, #tpu.memory_space<hbm>>) target(%arg9 : memref<2048xf32, #tpu.memory_space<vmem>>) target_semaphore(%arg15 : memref<!tpu.dma_semaphore, #tpu.memory_space<semaphore_mem>>)
      } else {
      }
      %lt3A_165 = arith.cmpi slt, %add3A_149, %select_n3A : i32
      %convert_element_type3A_166 = arith.extui %lt3A_165 : i1 to i32
      %cond3A_167 = arith.constant 0 : i32
      %cond3A_168 = arith.cmpi ne, %convert_element_type3A_166, %cond3A_167 : i32
      scf.if %cond3A_168 {
        %dma_wait3A = arith.constant 0 : i32
        %dma_wait3A_193 = tpu.memref_slice %arg2[%dma_wait3A] : memref<12800000xi32, #tpu.memory_space<hbm>> -> memref<2048xi32, #tpu.memory_space<hbm>>
        %dma_wait3A_194 = arith.constant 0 : i32
        %dma_wait3A_195 = tpu.memref_slice %arg2[%dma_wait3A_194] : memref<12800000xi32, #tpu.memory_space<hbm>> -> memref<2048xi32, #tpu.memory_space<hbm>>
        tpu.wait_dma2 semaphore(%arg17 : memref<!tpu.dma_semaphore, #tpu.memory_space<semaphore_mem>>) src(%dma_wait3A_195 : memref<2048xi32, #tpu.memory_space<hbm>>) dst(%arg7 : memref<2048xi32, #tpu.memory_space<vmem>>)
        %dma_wait3A_196 = arith.constant 0 : i32
        %dma_wait3A_197 = tpu.memref_slice %arg3[%dma_wait3A_196] : memref<6400000xf32, #tpu.memory_space<hbm>> -> memref<2048xf32, #tpu.memory_space<hbm>>
        %dma_wait3A_198 = arith.constant 0 : i32
        %dma_wait3A_199 = tpu.memref_slice %arg3[%dma_wait3A_198] : memref<6400000xf32, #tpu.memory_space<hbm>> -> memref<2048xf32, #tpu.memory_space<hbm>>
        tpu.wait_dma2 semaphore(%arg17 : memref<!tpu.dma_semaphore, #tpu.memory_space<semaphore_mem>>) src(%dma_wait3A_199 : memref<2048xf32, #tpu.memory_space<hbm>>) dst(%arg11 : memref<2048xf32, #tpu.memory_space<vmem>>)
        %dma_start3A_200 = arith.constant 0 : i32
        %dma_start3A_201 = tpu.memref_slice %arg14[%dma_start3A_200] : memref<100352xf32, #tpu.memory_space<vmem_shared>> -> memref<100352xf32, #tpu.memory_space<vmem_shared>>
        tpu.enqueue_indirect_dma source(%arg11 : memref<2048xf32, #tpu.memory_space<vmem>>) target(%dma_start3A_201 : memref<100352xf32, #tpu.memory_space<vmem_shared>>) offsets(%arg7 : memref<2048xi32, #tpu.memory_space<vmem>>) semaphore(%arg21 : memref<!tpu.dma_semaphore, #tpu.memory_space<semaphore_mem>>) {add = true}
      } else {
      }
      %mul3A_169 = arith.constant 4 : i32
      %mul3A_170 = arith.muli %while3A_100, %mul3A_169 : i32
      %add3A_171 = arith.constant 3 : i32
      %add3A_172 = arith.addi %mul3A_170, %add3A_171 : i32
      %ge3A_173 = arith.constant 2 : i32
      %ge3A_174 = arith.cmpi sge, %add3A_172, %ge3A_173 : i32
      %sub3A_175 = arith.constant 2 : i32
      %sub3A_176 = arith.subi %add3A_172, %sub3A_175 : i32
      %lt3A_177 = arith.cmpi slt, %sub3A_176, %select_n3A : i32
      %and3A_178 = arith.andi %ge3A_174, %lt3A_177 : i1
      %convert_element_type3A_179 = arith.extui %and3A_178 : i1 to i32
      %cond3A_180 = arith.constant 0 : i32
      %cond3A_181 = arith.cmpi ne, %convert_element_type3A_179, %cond3A_180 : i32
      scf.if %cond3A_181 {
        %dma_wait3A = arith.constant 0 : i32
        %dma_wait3A_193 = tpu.memref_slice %arg14[%dma_wait3A] : memref<100352xf32, #tpu.memory_space<vmem_shared>> -> memref<100352xf32, #tpu.memory_space<vmem_shared>>
        tpu.wait_indirect_dma semaphore(%arg20 : memref<!tpu.dma_semaphore, #tpu.memory_space<semaphore_mem>>) src(%arg10 : memref<2048xf32, #tpu.memory_space<vmem>>) dst(%dma_wait3A_193 : memref<100352xf32, #tpu.memory_space<vmem_shared>>)
      } else {
      }
      %add3A_182 = arith.constant 2 : i32
      %add3A_183 = arith.addi %add3A_172, %add3A_182 : i32
      %lt3A_184 = arith.cmpi slt, %add3A_183, %select_n3A : i32
      %convert_element_type3A_185 = arith.extui %lt3A_184 : i1 to i32
      %cond3A_186 = arith.constant 0 : i32
      %cond3A_187 = arith.cmpi ne, %convert_element_type3A_185, %cond3A_186 : i32
      scf.if %cond3A_187 {
        %add3A_193 = arith.constant 2 : i32
        %add3A_194 = arith.addi %add3A_172, %add3A_193 : i32
        %mul3A_195 = arith.constant 16 : i32
        %mul3A_196 = arith.muli %add3A_194, %mul3A_195 : i32
        %add3A_197 = arith.addi %mul3A_14, %mul3A_196 : i32
        %mul3A_198 = arith.constant 128 : i32
        %mul3A_199 = arith.muli %add3A_197, %mul3A_198 : i32
        %add3A_200 = arith.constant 6400000 : i32
        %add3A_201 = arith.addi %add3A_200, %mul3A_199 : i32
        %dma_start3A_202 = tpu.memref_slice %arg2[%add3A_201] : memref<12800000xi32, #tpu.memory_space<hbm>> -> memref<2048xi32, #tpu.memory_space<hbm>>
        %dma_start3A_203 = tpu.memref_slice %arg2[%add3A_201] : memref<12800000xi32, #tpu.memory_space<hbm>> -> memref<2048xi32, #tpu.memory_space<hbm>>
        tpu.enqueue_dma source(%dma_start3A_203 : memref<2048xi32, #tpu.memory_space<hbm>>) target(%arg6 : memref<2048xi32, #tpu.memory_space<vmem>>) target_semaphore(%arg16 : memref<!tpu.dma_semaphore, #tpu.memory_space<semaphore_mem>>)
        %dma_start3A_204 = tpu.memref_slice %arg3[%mul3A_199] : memref<6400000xf32, #tpu.memory_space<hbm>> -> memref<2048xf32, #tpu.memory_space<hbm>>
        %dma_start3A_205 = tpu.memref_slice %arg3[%mul3A_199] : memref<6400000xf32, #tpu.memory_space<hbm>> -> memref<2048xf32, #tpu.memory_space<hbm>>
        tpu.enqueue_dma source(%dma_start3A_205 : memref<2048xf32, #tpu.memory_space<hbm>>) target(%arg10 : memref<2048xf32, #tpu.memory_space<vmem>>) target_semaphore(%arg16 : memref<!tpu.dma_semaphore, #tpu.memory_space<semaphore_mem>>)
      } else {
      }
      %lt3A_188 = arith.cmpi slt, %add3A_172, %select_n3A : i32
      %convert_element_type3A_189 = arith.extui %lt3A_188 : i1 to i32
      %cond3A_190 = arith.constant 0 : i32
      %cond3A_191 = arith.cmpi ne, %convert_element_type3A_189, %cond3A_190 : i32
      scf.if %cond3A_191 {
        %dma_wait3A = arith.constant 0 : i32
        %dma_wait3A_193 = tpu.memref_slice %arg2[%dma_wait3A] : memref<12800000xi32, #tpu.memory_space<hbm>> -> memref<2048xi32, #tpu.memory_space<hbm>>
        %dma_wait3A_194 = arith.constant 0 : i32
        %dma_wait3A_195 = tpu.memref_slice %arg2[%dma_wait3A_194] : memref<12800000xi32, #tpu.memory_space<hbm>> -> memref<2048xi32, #tpu.memory_space<hbm>>
        tpu.wait_dma2 semaphore(%arg18 : memref<!tpu.dma_semaphore, #tpu.memory_space<semaphore_mem>>) src(%dma_wait3A_195 : memref<2048xi32, #tpu.memory_space<hbm>>) dst(%arg8 : memref<2048xi32, #tpu.memory_space<vmem>>)
        %dma_wait3A_196 = arith.constant 0 : i32
        %dma_wait3A_197 = tpu.memref_slice %arg3[%dma_wait3A_196] : memref<6400000xf32, #tpu.memory_space<hbm>> -> memref<2048xf32, #tpu.memory_space<hbm>>
        %dma_wait3A_198 = arith.constant 0 : i32
        %dma_wait3A_199 = tpu.memref_slice %arg3[%dma_wait3A_198] : memref<6400000xf32, #tpu.memory_space<hbm>> -> memref<2048xf32, #tpu.memory_space<hbm>>
        tpu.wait_dma2 semaphore(%arg18 : memref<!tpu.dma_semaphore, #tpu.memory_space<semaphore_mem>>) src(%dma_wait3A_199 : memref<2048xf32, #tpu.memory_space<hbm>>) dst(%arg12 : memref<2048xf32, #tpu.memory_space<vmem>>)
        %dma_start3A_200 = arith.constant 0 : i32
        %dma_start3A_201 = tpu.memref_slice %arg14[%dma_start3A_200] : memref<100352xf32, #tpu.memory_space<vmem_shared>> -> memref<100352xf32, #tpu.memory_space<vmem_shared>>
        tpu.enqueue_indirect_dma source(%arg12 : memref<2048xf32, #tpu.memory_space<vmem>>) target(%dma_start3A_201 : memref<100352xf32, #tpu.memory_space<vmem_shared>>) offsets(%arg8 : memref<2048xi32, #tpu.memory_space<vmem>>) semaphore(%arg22 : memref<!tpu.dma_semaphore, #tpu.memory_space<semaphore_mem>>) {add = true}
      } else {
      }
      %while3A_192 = arith.constant 0 : i32
      scf.yield %while3A_192 : i32
    }
    %barrier3A_92 = arith.constant 0 : index
    tpu.barrier barrier_id(%barrier3A_92)
    %mul3A_93 = arith.constant 6272 : i32
    %mul3A_94 = arith.muli %arg1, %mul3A_93 : i32
    %mul3A_95 = arith.constant 100352 : i32
    %mul3A_96 = arith.muli %arg0, %mul3A_95 : i32
    %mul3A_97 = arith.constant 6272 : i32
    %mul3A_98 = arith.muli %arg1, %mul3A_97 : i32
    %add3A_99 = arith.addi %mul3A_96, %mul3A_98 : i32
    "tpu.region"() ({
      %run_scoped3A = tpu.sem_alloc : memref<!tpu.dma_semaphore, #tpu.memory_space<semaphore_mem>>
      %dma_start3A_100 = tpu.memref_slice %arg4[%add3A_99] : memref<200704xf32, #tpu.memory_space<hbm>> -> memref<6272xf32, #tpu.memory_space<hbm>>
      %dma_start3A_101 = tpu.memref_slice %arg14[%mul3A_94] : memref<100352xf32, #tpu.memory_space<vmem_shared>> -> memref<6272xf32, #tpu.memory_space<vmem_shared>>
      tpu.enqueue_dma source(%dma_start3A_101 : memref<6272xf32, #tpu.memory_space<vmem_shared>>) target(%dma_start3A_100 : memref<6272xf32, #tpu.memory_space<hbm>>) target_semaphore(%run_scoped3A : memref<!tpu.dma_semaphore, #tpu.memory_space<semaphore_mem>>)
      %dma_wait3A = tpu.memref_slice %arg4[%add3A_99] : memref<200704xf32, #tpu.memory_space<hbm>> -> memref<6272xf32, #tpu.memory_space<hbm>>
      %dma_wait3A_102 = tpu.memref_slice %arg14[%mul3A_94] : memref<100352xf32, #tpu.memory_space<vmem_shared>> -> memref<6272xf32, #tpu.memory_space<vmem_shared>>
      tpu.wait_dma2 semaphore(%run_scoped3A : memref<!tpu.dma_semaphore, #tpu.memory_space<semaphore_mem>>) src(%dma_wait3A_102 : memref<6272xf32, #tpu.memory_space<vmem_shared>>) dst(%dma_wait3A : memref<6272xf32, #tpu.memory_space<hbm>>)
      tpu.yield
    }) : () -> ()
    return
  }
}

</mosaic_0001>

<sc_bundles>
// kernel: _run_sc_deg.3.cloned.1.call-start
scs
__scs_entry_jumppad:
0x0: {  	(pc) =	sbr.rel $0x88, $3  }
0x1: {  	(tag) =	ssettag $0x0;
	lr =	simm.s32 $0x1  }
0x2: {  	[smem:$0x3F9F] =	sst lr;
	_ =	strace $0xD0000000  }
0x3: {  	_ = 	snop  }
0x4: {  	_ = 	snop  }
0x5: {  	_ = 	snop  }
0x6: {  	_ = 	snop  }
0x7: {  	_ = 	snop  }
__scs_overlays_trampoline_lowered:
0x8: {  	[smem:$0x3FAE] =	sst s0  }
0x9: {  	[smem:$0x3FAF] =	sst s1  }
0xa: {  	[smem:$0x3FB0] =	sst s2  }
0xb: {  	[smem:$0x3FB1] =	sst s3  }
0xc: {  	[smem:$0x3FB2] =	sst s4  }
0xd: {  	[smem:$0x3FB3] =	sst s5  }
0xe: {  	[smem:$0x3FB4] =	sst s6  }
0xf: {  	[smem:$0x3FB5] =	sst s7  }
0x10: {  	[smem:$0x3FB6] =	sst s8  }
0x11: {  	[smem:$0x3FB7] =	sst s9;
	s0 =	simm.s32 @!p0 $0x0  }
0x12: {  	s1 =	sld [smem:$0x3F9D];
	s0 =	simm.s32 @p0 $0x1  }
0x13: {  	[smem:$0x3FB8] =	sst s0;
	s0 =	simm.s32 @!p1 $0x0  }
0x14: {  	s2 =	sld [smem:$0x3F9C];
	s0 =	simm.s32 @p1 $0x1  }
0x15: {  	[smem:$0x3FB9] =	sst s0;
	s0 =	simm.s32 @!p2 $0x0  }
0x16: {  	s3 =	sld [smem:$0x3FDB];
	s0 =	simm.s32 @p2 $0x1  }
0x17: {  	s4 =	simm.s32 $0x1BF5;
	[smem:$0x3FBB] =	sst s0  }
0x18: {  	s0 =	sld [smem:$0x3F9E];
	_ =	swait.ge [sflag:s4], $0x0  }
0x19: {  	s7 =	sld [smem:$0x3F9F]  }
0x1a: {  	s8 =	sadd.s32 $0xFFFFE003, lr  }
0x1b: {  	s9 =	sadd.s32 $0xFFFFFEF7, lr;
	s5 =	simm.s32 $0xFFFFFFFF;
	p2 =	slt.u32 s8, $0xFFFFF086  }
0x1c: {  	p1 =	slt.u32 s9, $0xF7A;
	s5 =	simm.s32 @!p2 $0x0  }
0x1d: {  	s5 =	simm.s32 @p1 $0x1;
	p0 =	seq.s32 s7, s2  }
0x1e: {  	s7 =	smul.u32 @!p0 $0xF7A, s2;
	p2 =	seq.s32 @!p0 s5, $0x0  }
0x1f: {  	s9 =	smul.u32 $0xF7A, s1;
	s8 =	simm.s32 @!p0 $0x1BF5;
	p2 =	por !p2, p0  }
0x20: {  	[sflag:s8] =	ssyncset.s32 @!p0 $0xFFFFF086;
	s6 =	sadd.s32 @!p0 s3, s7;
	s7 =	simm.s32 @!p0 $0x108  }
0x21: {  	s3 =	sadd.s32 s3, s9;
	s6 =	sadd.s32 @!p0 $0x88, s6;
	s7 =	simm.s32 @p2 $0x1082  }
0x22: {  	[simem:s7], [sflag:s8] =	dma.local @!p0 [hbm:s6], $0xF7A  }
0x23: {  	s9 =	sor.u32 $0xD0000000, s2;
	s6 =	simm.s32 $0x108;
	_ =	swait.ge @!p0 [sflag:s8], $0x0  }
0x24: {  	s3 =	sadd.s32 $0x88, s3;
	s6 =	simm.s32 @!p1 $0x1082;
	[sflag:s4] =	ssyncset.s32 $0xFFFFF086  }
0x25: {  	[simem:s6], [sflag:s4] =	dma.local [hbm:s3], $0xF7A  }
0x26: {  	[smem:$0x3F9F] =	sst s1;
	(tag) =	ssettag s2;
	_ =	strace s9  }
0x27: {  	s1 =	sld [smem:$0x3FAF]  }
0x28: {  	s2 =	sld [smem:$0x3FB0]  }
0x29: {  	s4 =	sld [smem:$0x3FB2]  }
0x2a: {  	p0 =	seq.s32 s5, $0x0;
	s5 =	sld [smem:$0x3FB3]  }
0x2b: {  	s6 =	sld [smem:$0x3FB4]  }
0x2c: {  	s7 =	sld [smem:$0x3FB5]  }
0x2d: {  	s3 =	simm.s32 $0x108;
	s8 =	sld [smem:$0x3FB6]  }
0x2e: {  	s3 =	simm.s32 @!p0 $0x1082;
	s9 =	sld [smem:$0x3FB7]  }
0x2f: {  	lr =	sadd.s32 s0, s3;
	s0 =	sld [smem:$0x3FAE]  }
0x30: {  	s3 =	sld [smem:$0x3FB1]  }
0x31: {  	[smem:$0x3FBA] =	sst s10  }
0x32: {  	s10 =	sld [smem:$0x3FB8];
	_ =	sdelay $0x3  }
0x33: {  	p0 =	seq.s32 s10, $0x1;
	s10 =	sld [smem:$0x3FBA];
	_ =	sdelay $0x3  }
0x34: {  	[smem:$0x3FBA] =	sst s10  }
0x35: {  	s10 =	sld [smem:$0x3FB9];
	_ =	sdelay $0x3  }
0x36: {  	p1 =	seq.s32 s10, $0x1;
	s10 =	sld [smem:$0x3FBA];
	_ =	sdelay $0x3  }
0x37: {  	[smem:$0x3FBA] =	sst s10  }
0x38: {  	s10 =	sld [smem:$0x3FBB]  }
0x39: {  	_ = 	snop;
	(pc) =	sbr.ind lr, $3  }
0x3a: {  	_ = 	snop  }
0x3b: {  	_ = 	snop  }
0x3c: {  	p2 =	seq.s32 s10, $0x1;
	s10 =	sld [smem:$0x3FBA]  }
0x3d: {  	_ =	shalt  }
0x3e: {  	_ =	shalt  }
0x3f: {  	_ =	shalt  }
0x40: {  	_ =	shalt  }
0x41: {  	_ =	shalt  }
0x42: {  	_ =	shalt  }
0x43: {  	_ =	shalt  }
0x44: {  	_ =	shalt  }
0x45: {  	_ =	shalt  }
0x46: {  	_ =	shalt  }
0x47: {  	_ =	shalt  }
0x48: {  	_ =	shalt  }
0x49: {  	_ =	shalt  }
0x4a: {  	_ =	shalt  }
0x4b: {  	_ =	shalt  }
0x4c: {  	_ =	shalt  }
0x4d: {  	_ =	shalt  }
0x4e: {  	_ =	shalt  }
0x4f: {  	_ =	shalt  }
0x50: {  	_ =	shalt  }
0x51: {  	_ =	shalt  }
0x52: {  	_ =	shalt  }
0x53: {  	_ =	shalt  }
0x54: {  	_ =	shalt  }
0x55: {  	_ =	shalt  }
0x56: {  	_ =	shalt  }
0x57: {  	_ =	shalt  }
0x58: {  	_ =	shalt  }
0x59: {  	_ =	shalt  }
0x5a: {  	_ =	shalt  }
0x5b: {  	_ =	shalt  }
0x5c: {  	_ =	shalt  }
0x5d: {  	_ =	shalt  }
0x5e: {  	_ =	shalt  }
0x5f: {  	_ =	shalt  }
0x60: {  	_ =	shalt  }
0x61: {  	_ =	shalt  }
0x62: {  	_ =	shalt  }
0x63: {  	_ =	shalt  }
0x64: {  	_ =	shalt  }
0x65: {  	_ =	shalt  }
0x66: {  	_ =	shalt  }
0x67: {  	_ =	shalt  }
0x68: {  	_ =	shalt  }
0x69: {  	_ =	shalt  }
0x6a: {  	_ =	shalt  }
0x6b: {  	_ =	shalt  }
0x6c: {  	_ =	shalt  }
0x6d: {  	_ =	shalt  }
0x6e: {  	_ =	shalt  }
0x6f: {  	_ =	shalt  }
0x70: {  	_ =	shalt  }
0x71: {  	_ =	shalt  }
0x72: {  	_ =	shalt  }
0x73: {  	_ =	shalt  }
0x74: {  	_ =	shalt  }
0x75: {  	_ =	shalt  }
0x76: {  	_ =	shalt  }
0x77: {  	_ =	shalt  }
0x78: {  	_ =	shalt  }
0x79: {  	_ =	shalt  }
0x7a: {  	_ =	shalt  }
0x7b: {  	_ =	shalt  }
0x7c: {  	_ =	shalt  }
0x7d: {  	_ =	shalt  }
0x7e: {  	_ =	shalt  }
0x7f: {  	_ =	shalt  }
0x80: {  	_ =	shalt  }
0x81: {  	_ =	shalt  }
0x82: {  	_ =	shalt  }
0x83: {  	_ =	shalt  }
0x84: {  	_ =	shalt  }
0x85: {  	_ =	shalt  }
0x86: {  	_ =	shalt  }
0x87: {  	_ =	shalt  }
.Lfunc_end0:
.L_simem_size_0:
called_computation_lowered:
.L_overlay_start_0:
0x88: {  	s2 =	sld [smem:$0x3FD9]  }
0x89: {  	s3 =	sld [smem:$0x3FFE];
	_ =	sdelay $0x1  }
0x8a: {  	s1 =	srdreg.scid  }
0x8b: {  	s0 =	sand.u32 $0x1, s1  }
0x8c: {  	s18 =	sshll.u32 s0, $0xA;
	s2 =	sadd.s32 s3, s2  }
0x8d: {  	s2 =	sadd.s32 s2, s18  }
0x8e: {  	[smem:$0x3FC6] =	sst s2  }
0x8f: {  	_ = 	snop  }
0x90: {  	s2 =	sld [smem:$0x3FC9]  }
0x91: {  	s19 =	sld [smem:$0x3FC8]  }
0x92: {  	s4 =	sld [smem:$0x3FD0];
	(tm) =	ssettm $0x1  }
0x93: {  	s5 =	sld [smem:$0x3FFB];
	_ =	sdelay $0x3  }
0x94: {  	_ =	strace s5  }
0x95: {  	s5 =	sld [smem:$0x3FFC];
	_ =	sdelay $0x3  }
0x96: {  	_ =	strace s5  }
0x97: {  	s5 =	sld [smem:$0x3FFD];
	_ =	sdelay $0x3  }
0x98: {  	_ =	strace s5  }
0x99: {  	_ =	strace $0x8FFFFFFF  }
0x9a: {  	s20 =	sld [smem:$0x3FDB];
	_ =	sdelay $0x1  }
0x9b: {  	s6 =	simm.s32 $_scs_section_size  }
0x9c: {  	s7 =	simm.s32 $_size__tile_overlayer_lowered;
	s8 =	simm.s32 $_tile_overlayer_lowered  }
0x9d: {  	s23 =	simm.s32 $0x1BFF;
	s22 =	sshll.u32 s8, $0x1;
	s5 =	sadd.s32 s6, s20  }
0x9e: {  	s9 =	simm.s32 $0x0;
	s21 =	sshll.u32 s7, $0x1;
	s7 =	sadd.s32 s22, s5  }
0x9f: {  	[timem:s9], [sflag:s23] =	dma.local [hbm:s7], s21  }
0xa0: {  	_ =	swait.ge [sflag:s23], s21  }
0xa1: {  	s6 =	ssub.s32 $0x0, s21;
	[sflag:s23] =	ssyncset.done $0x0  }
0xa2: {  	[sflag:s23] =	ssyncadd.s32 s6;
	_ =	sdelay $0x1  }
0xa3: {  	s24 =	simm.s32 $0x1B8B  }
0xa4: {  	_ =	swait.ge [sflag:s24], $0x1  }
0xa5: {  	[sflag:s24] =	ssyncset.done $0x0  }
0xa6: {  	s25 =	simm.s32 $0x1B8E;
	[sflag:s24] =	ssyncadd.s32 $0xFFFFFFFF  }
0xa7: {  	s26 =	simm.s32 $execute0_lowered;
	[smem:$0x3FD2] =	sst s25  }
0xa8: {  	s6 =	sshll.u32 s26, $0x1;
	_ =	strace $0x80000046;
	[dreg:$0x1] =	wrdreg $0xFFFFFFFF  }
0xa9: {  	s28 =	simm.s32 $_size_execute0_lowered;
	s5 =	sadd.s32 s5, s6;
	[dreg:$0x0] =	wrdreg $0x0  }
0xaa: {  	s6 =	sshll.u32 s28, $0x1;
	[dreg:$0x2] =	wrdreg s5  }
0xab: {  	[dreg:$0x3] =	wrdreg s6  }
0xac: {  	[dreg:$0x4] =	wrdreg $0xC0  }
0xad: {  	_ =	task [dreg:s9], $0x5FFFF  }
0xae: {  	[dreg:$0x1] =	wrdreg $0xFFFFFFFF  }
0xaf: {  	[dreg:$0x0] =	wrdreg $0x60  }
0xb0: {  	[dreg:$0x2] =	wrdreg s2  }
0xb1: {  	[dreg:$0x3] =	wrdreg s19  }
0xb2: {  	[dreg:$0x4] =	wrdreg s4  }
0xb3: {  	[dreg:$0x5] =	wrdreg $0x58800  }
0xb4: {  	[dreg:$0x6] =	wrdreg $0x9  }
0xb5: {  	_ =	task.clear_ibuf [dreg:s9], $0x7FFFF;
	_ =	strace $0x90000046  }
0xb6: {  	s29 =	simm.s32 $0x9;
	_ =	strace $0x80000048  }
0xb7: {  	_ =	swait.ge [sflag:s29], $0x1  }
0xb8: {  	[sflag:s29] =	ssyncadd.s32 $0xFFFFFFFF  }
0xb9: {  	_ =	strace $0x90000048  }
0xba: {  	_ =	sfence  }
0xbb: {  	s30 =	sld [smem:$0x0];
	_ =	sdelay $0x2  }
0xbc: {  	s31 =	sshll.u32 s1, $0xD;
	s1 =	sshrl.u32 s1, $0x2  }
0xbd: {  	s3 =	sand.u32 $0x4000, s31;
	s1 =	sadd.s32 s1, s30  }
0xbe: {  	s0 =	sor.u32 s3, s0;
	s1 =	sshll.u32 s1, $0x11  }
0xbf: {  	s0 =	sor.u32 s1, s0  }
0xc0: {  	s0 =	sadd.s32 $0x8F2B, s0  }
0xc1: {  	[sflag:s0] =	ssyncadd.remote.s32 $0x1  }
0xc2: {  	_ =	sfence.sel $0xFFFF  }
0xc3: {  	[dreg:$0x0] =	wrdreg $0xFFFFFFFF;
	(pc) =	sbr.abs _section_cstart, $3  }
0xc4: {  	[dreg:$0x1] =	wrdreg $0xFFFFFFFF  }
0xc5: {  	_ =	task.clear_ibuf [dreg:s9], $0x2FFFF;
	_ =	strace $0x9FFFFFFF  }
0xc6: {  	(tm) =	ssettm $0x7FFFFFFF  }
0xc7: {  	_ =	shalt  }
tec
execute0_lowered:
.L_overlay_start_1:
0x0: {  	(tag) =	ssettag $0x1  }
0x1: {  	s0 =	rddreg [dreg:$0x0]  }
0x2: {  	s1 =	rddreg [dreg:$0x1]  }
0x3: {  	s10 =	rddreg [dreg:$0x2];
	s3 =	srdreg.scid  }
0x4: {  	s2 =	rddreg [dreg:$0x3];
	s16 =	stileid.u32  }
0x5: {  	s17 =	simm.s32 $0x800;
	s18 =	simm.s32 $0x2800;
	s11 =	sand.u32 $0x1, s3  }
0x6: {  	s3 =	simm.s32 $0x0;
	s12 =	smul.u32 $0x1880, s16;
	s4 =	sshll.u32 s11, $0x4  }
0x7: {  	[smem:$0x7FF] =	sst s3;
	s29 =	ssub.s32 $0x2, s11;
	s15 =	smul.u32 $0x18800, s11  }
0x8: {  	s11 =	smul.u32 $0x61000, s11;
	s5 =	sor.u32 s16, s4;
	_ =	strace $0x80000047  }
0x9: {  	s7 =	sshrl.u32 s29, $0x1;
	s4 =	sadd.s32 s12, s2;
	s16 =	smul.u32 $0x6100, s16  }
0xa: {  	s6 =	smul.u32 $0x61, s5;
	s13 =	smin.u32 s5, $0x15;
	s14 =	ssub.s32 s29, s7  }
0xb: {  	p0 =	slt.u32 s5, $0x15;
	s5 =	simm.s32 $0x62;
	s12 =	sadd.s32 s12, s15  }
0xc: {  	s15 =	simm.s32 $0x9;
	s5 =	simm.s32 @!p0 $0x61;
	s12 =	sshrl.u32 s12, $0x3  }
0xd: {  	s6 =	sadd.s32 s13, s6;
	s31 =	sadd.s32 $0xFFFFFFFF, s5;
	s10 =	sadd.s32 s10, s12  }
0xe: {  	s13 =	sshll.u32 s13, $0x8;
	s30 =	sshll.u32 s6, $0x8;
	[dreg:$0x5] =	wrdreg s31  }
0xf: {  	s8 =	sadd.s32 s0, s30;
	s7 =	sadd.s32 s1, s30;
	s1 =	sadd.s32 s11, s1  }
0x10: {  	s0 =	sadd.s32 s11, s0;
	s11 =	smax.u32 s14, $0x1;
	s6 =	sadd.s32 $0xC3500, s8  }
0x11: {  	s8 =	sadd.s32 $0xC3600, s8;
	s1 =	sadd.s32 s16, s1;
	s0 =	sadd.s32 s16, s0  }
0x12: {  	v0 =	vimm.f32 $0.0e+00;
	s9 =	sadd.s32 $0x100, s7;
	s12 =	sadd.s32 s13, s1;
	s13 =	sadd.s32 s13, s0  }
.LBB2_1:
0x13: {  	s0 =	simm.s32 $0x40;
	s1 =	simm.s32 $0x0  }
.LBB2_2:
0x14: {  	p0 =	sne.s32 s0, $0x61C0;
	[tilespmem:s1+$0x4000] =	vst v0;
	s1 =	smov.u32 s0;
	s0 =	sadd.s32 $0x40, s0  }
.Ltmp0:
0x15: {  	(pc) =	sbr.rel @p0 .LBB2_2-.Ltmp0, $2  }
0x16: {  	_ =	sdelay $0x2  }
0x17: {  	s1 =	sshra.s32 s1, $0x2  }
0x18: {  	[tilespmem:s1+$0x4000] =	vst v0;
	s0 =	simm.s32 $0x4000  }
0x19: {  	[spmem:s4] =	stream.linear.scatter [tilespmem:s0], [sflag:$0x9], $0x1880, $0x38;
	[tilespmem:$0x7100] =	vst v63  }
0x1a: {  	_ =	swait.ge [sflag:s15], $0x1880  }
0x1b: {  	[sflag:s15] =	ssyncset.done $0x0  }
0x1c: {  	[sflag:s15] =	ssyncadd.s32 $0xFFFFE780  }
0x1d: {  	s19 =	simm.s32 $0x0;
	[bflag:$0x0] =	sbarrier.arrive $0xFFFF  }
0x1e: {  	[tilespmem:s19], [sflag:$0x1] =	stream.linear.gather [hbm4b:s6+s19], $0x800, $0x38;
	[tilespmem:$0x7100] =	vst v63  }
0x1f: {  	s26 =	simm.s32 $0x2000;
	p0 =	sle.u32 s5, $0x2;
	p2 =	por $0x1, $0x1  }
0x20: {  	[tilespmem:s26], [sflag:$0x1] =	stream.linear.gather [hbm4b:s7+s19], $0x800, $0x38;
	[tilespmem:$0x7100] =	vst v63  }
0x21: {  	p3 =	sle.u32 s5, $0x0;
	s21 =	simm.s32 $0x400;
	p4 =	sle.u32 s5, $0x4  }
0x22: {  	[tilespmem:s17], [sflag:$0x2] =	stream.linear.gather [hbm4b:s8+s19], $0x800, $0x38;
	[tilespmem:$0x7100] =	vst v63  }
0x23: {  	s0 =	sadd.s32 @!p0 $0x0, s12;
	s1 =	simm.s32 @!p2 $0x7;
	s20 =	sadd.s32 @!p0 $0x0, s13  }
0x24: {  	[tilespmem:s18], [sflag:$0x2] =	stream.linear.gather [hbm4b:s9+s19], $0x800, $0x38;
	[tilespmem:$0x7100] =	vst v63  }
0x25: {  	p1 =	por p0, p0;
	s24 =	simm.s32 @!p3 $0x0;
	_ =	swait.ge @!p2 [sflag:s1], $0x800  }
0x26: {  	s25 =	simm.s32 @!p2 $0x8;
	s20 =	sadd.s32 @!p0 $0xC3700, s20;
	[sflag:s1] =	ssyncset.done @!p2 $0x0  }
0x27: {  	s22 =	simm.s32 @!p1 $0x1000;
	[sflag:s1] =	ssyncadd.s32 @!p2 $0xFFFFF800;
	s1 =	simm.s32 @!p1 $0x0  }
0x28: {  	[tilespmem:s22], [sflag:$0x3] =	stream.linear.gather @!p1 [hbm4b:s20+s1], $0x800, $0x38;
	[tilespmem:$0x7100] =	vst v63  }
0x29: {  	s0 =	sadd.s32 @!p0 $0x200, s0;
	s23 =	simm.s32 @!p1 $0x3000;
	s20 =	simm.s32 @!p3 $0x1  }
0x2a: {  	[tilespmem:s23], [sflag:$0x3] =	stream.linear.gather @!p1 [hbm4b:s0+s1], $0x800, $0x38;
	[tilespmem:$0x7100] =	vst v63  }
0x2b: {  	p0 =	sle.u32 s5, $0x3;
	s26 =	sadd.s32 @!p4 $0x0, s12;
	_ =	swait.ge @!p3 [sflag:s20], $0x800  }
0x2c: {  	s31 =	sadd.s32 @!p4 $0x400, s26;
	s26 =	simm.s32 $0x0;
	[sflag:s20] =	ssyncset.done @!p3 $0x0  }
0x2d: {  	s0 =	sadd.s32 @!p0 $0x0, s13;
	s1 =	sadd.s32 @!p0 $0x0, s12;
	[sflag:s20] =	ssyncadd.s32 @!p3 $0xFFFFF800  }
0x2e: {  	s29 =	sadd.s32 @!p0 $0xC3800, s0;
	s28 =	sadd.s32 @!p0 $0x300, s1;
	_ =	swait.ge @!p3 [sflag:s20], $0x800  }
0x2f: {  	s0 =	simm.s32 @!p3 $0x2000;
	s1 =	simm.s32 @!p3 $0x800;
	[sflag:s20] =	ssyncset.done @!p3 $0x0  }
0x30: {  	[sflag:s20] =	ssyncadd.s32 @!p3 $0xFFFFF800;
	s20 =	simm.s32 @!p0 $0x3800;
	p0 =	por p0, p0  }
0x31: {  	[spmem:s2] =	stream.indirect.scatter.add.f32 @!p3 [tilespmem:s0], [sflag:$0x5], $0x1, s24, s1, $0xb8;
	[tilespmem:$0x7100] =	vst v63  }
0x32: {  	s24 =	simm.s32 $0x4;
	s0 =	sadd.s32 @!p4 $0x0, s13;
	_ =	swait.ge @!p2 [sflag:s25], $0x800  }
0x33: {  	s1 =	simm.s32 @!p0 $0x0;
	s0 =	sadd.s32 @!p4 $0xC3900, s0;
	[sflag:s25] =	ssyncset.done @!p2 $0x0  }
0x34: {  	s30 =	rddreg [dreg:$0x5];
	[sflag:s25] =	ssyncadd.s32 @!p2 $0xFFFFF800;
	s25 =	simm.s32 @!p0 $0x1800  }
.LBB2_4:
0x35: {  	[tilespmem:s25], [sflag:$0x4] =	stream.linear.gather @!p0 [hbm4b:s29+s1], $0x800, $0x38;
	[tilespmem:$0x7100] =	vst v63  }
0x36: {  	p5 =	sge.u32 s19, s30  }
0x37: {  	s29 =	simm.s32 @!p5 $0x2  }
0x38: {  	[tilespmem:s20], [sflag:$0x4] =	stream.linear.gather @!p0 [hbm4b:s28+s1], $0x800, $0x38;
	[tilespmem:$0x7100] =	vst v63  }
0x39: {  	_ =	swait.ge @!p5 [sflag:s29], $0x800  }
0x3a: {  	[sflag:s29] =	ssyncset.done @!p5 $0x0  }
0x3b: {  	[sflag:s29] =	ssyncadd.s32 @!p5 $0xFFFFF800  }
0x3c: {  	_ =	swait.ge @!p5 [sflag:s29], $0x800  }
0x3d: {  	s14 =	simm.s32 @!p5 $0x2800;
	[sflag:s29] =	ssyncset.done @!p5 $0x0  }
0x3e: {  	s1 =	simm.s32 @!p3 $0x5;
	s28 =	simm.s32 @!p5 $0x800;
	[sflag:s29] =	ssyncadd.s32 @!p5 $0xFFFFF800  }
0x3f: {  	[spmem:s2] =	stream.indirect.scatter.add.f32 @!p5 [tilespmem:s14], [sflag:$0x6], $0x1, s28, s28, $0xb8;
	[tilespmem:$0x7100] =	vst v63  }
0x40: {  	_ =	swait.ge @!p3 [sflag:s1], $0x800  }
0x41: {  	[sflag:s1] =	ssyncset.done @!p3 $0x0  }
0x42: {  	[sflag:s1] =	ssyncadd.s32 @!p3 $0xFFFFF800;
	s1 =	simm.s32 @!p4 $0x0  }
0x43: {  	[tilespmem:s1], [sflag:$0x1] =	stream.linear.gather @!p4 [hbm4b:s0+s1], $0x800, $0x38;
	[tilespmem:$0x7100] =	vst v63  }
0x44: {  	s14 =	simm.s32 @!p4 $0x2000;
	s28 =	simm.s32 @!p1 $0x3  }
0x45: {  	[tilespmem:s14], [sflag:$0x1] =	stream.linear.gather @!p4 [hbm4b:s31+s1], $0x800, $0x38;
	[tilespmem:$0x7100] =	vst v63  }
0x46: {  	_ =	swait.ge @!p1 [sflag:s28], $0x800  }
0x47: {  	s30 =	smov.u32 s21;
	s29 =	sadd.s32 $0x5, s19;
	[sflag:s28] =	ssyncset.done @!p1 $0x0  }
0x48: {  	s16 =	sadd.s32 $0x3, s24;
	p6 =	sge.u32 s29, s5;
	[sflag:s28] =	ssyncadd.s32 @!p1 $0xFFFFF800  }
0x49: {  	s29 =	simm.s32 @!p5 $0x6;
	p3 =	sge.u32 s16, s5;
	_ =	swait.ge @!p1 [sflag:s28], $0x800  }
0x4a: {  	s0 =	simm.s32 @!p1 $0x800;
	s14 =	sadd.s32 $0x2, s24;
	[sflag:s28] =	ssyncset.done @!p1 $0x0  }
0x4b: {  	s31 =	sadd.s32 @!p6 s26, s13;
	s26 =	sadd.s32 @!p6 s26, s12;
	[sflag:s28] =	ssyncadd.s32 @!p1 $0xFFFFF800  }
0x4c: {  	[spmem:s2] =	stream.indirect.scatter.add.f32 @!p1 [tilespmem:s23], [sflag:$0x7], $0x1, s22, s0, $0xb8;
	[tilespmem:$0x7100] =	vst v63  }
0x4d: {  	p4 =	sge.u32 s14, s5;
	s14 =	sadd.s32 @!p3 s30, s13;
	_ =	swait.ge @!p5 [sflag:s29], $0x800  }
0x4e: {  	s28 =	sadd.s32 @!p6 $0xC3A00, s31;
	s0 =	simm.s32 @!p6 $0x800;
	[sflag:s29] =	ssyncset.done @!p5 $0x0  }
0x4f: {  	s22 =	sadd.s32 @!p6 $0x500, s26;
	s23 =	simm.s32 @!p6 $0x0;
	[sflag:s29] =	ssyncadd.s32 @!p5 $0xFFFFF800  }
0x50: {  	[tilespmem:s0], [sflag:$0x2] =	stream.linear.gather @!p6 [hbm4b:s28+s23], $0x800, $0x38;
	[tilespmem:$0x7100] =	vst v63  }
0x51: {  	s26 =	simm.s32 @!p6 $0x2800;
	s29 =	sadd.s32 @!p3 $0xC3800, s14;
	s14 =	simm.s32 @!p0 $0x4  }
0x52: {  	[tilespmem:s26], [sflag:$0x2] =	stream.linear.gather @!p6 [hbm4b:s22+s23], $0x800, $0x38;
	[tilespmem:$0x7100] =	vst v63  }
0x53: {  	_ =	swait.ge @!p0 [sflag:s14], $0x800  }
0x54: {  	s16 =	sadd.s32 @!p4 s30, s13;
	[sflag:s14] =	ssyncset.done @!p0 $0x0  }
0x55: {  	s1 =	sadd.s32 @!p4 s30, s12;
	s16 =	sadd.s32 @!p4 $0xC3700, s16;
	[sflag:s14] =	ssyncadd.s32 @!p0 $0xFFFFF800  }
0x56: {  	p5 =	seq.s32 s30, $0x0;
	s0 =	sadd.s32 @!p3 s30, s12;
	_ =	swait.ge @!p0 [sflag:s14], $0x800  }
0x57: {  	s28 =	sadd.s32 @!p3 $0x300, s0;
	s0 =	simm.s32 @!p3 $0x3800;
	[sflag:s14] =	ssyncset.done @!p0 $0x0  }
0x58: {  	s23 =	simm.s32 @!p5 $0x7;
	s22 =	simm.s32 @!p0 $0x800;
	[sflag:s14] =	ssyncadd.s32 @!p0 $0xFFFFF800  }
0x59: {  	[spmem:s2] =	stream.indirect.scatter.add.f32 @!p0 [tilespmem:s20], [sflag:$0x8], $0x1, s25, s22, $0xb8;
	[tilespmem:$0x7100] =	vst v63  }
0x5a: {  	p1 =	por p4, p4;
	s20 =	smov.u32 s0;
	_ =	swait.ge @!p5 [sflag:s23], $0x800  }
0x5b: {  	p0 =	por p3, p3;
	s22 =	simm.s32 @!p1 $0x1000;
	[sflag:s23] =	ssyncset.done @!p5 $0x0  }
0x5c: {  	s0 =	simm.s32 @!p1 $0x0;
	p3 =	sge.u32 s24, s5;
	[sflag:s23] =	ssyncadd.s32 @!p5 $0xFFFFF800  }
0x5d: {  	[tilespmem:s22], [sflag:$0x3] =	stream.linear.gather @!p1 [hbm4b:s16+s0], $0x800, $0x38;
	[tilespmem:$0x7100] =	vst v63  }
0x5e: {  	s1 =	sadd.s32 @!p4 $0x200, s1;
	s14 =	simm.s32 @!p3 $0x1;
	s23 =	simm.s32 @!p1 $0x3000  }
0x5f: {  	[tilespmem:s23], [sflag:$0x3] =	stream.linear.gather @!p1 [hbm4b:s1+s0], $0x800, $0x38;
	[tilespmem:$0x7100] =	vst v63  }
0x60: {  	_ =	swait.ge @!p3 [sflag:s14], $0x800  }
0x61: {  	[sflag:s14] =	ssyncset.done @!p3 $0x0  }
0x62: {  	s21 =	sadd.s32 $0x400, s21;
	[sflag:s14] =	ssyncadd.s32 @!p3 $0xFFFFF800  }
0x63: {  	p2 =	sne.s32 s21, $0x6400;
	_ =	swait.ge @!p3 [sflag:s14], $0x800  }
0x64: {  	s19 =	smov.u32 s24;
	s16 =	simm.s32 @!p3 $0x0;
	[sflag:s14] =	ssyncset.done @!p3 $0x0  }
0x65: {  	s0 =	simm.s32 @!p3 $0x2000;
	s1 =	simm.s32 @!p3 $0x800;
	[sflag:s14] =	ssyncadd.s32 @!p3 $0xFFFFF800  }
0x66: {  	[spmem:s2] =	stream.indirect.scatter.add.f32 @!p3 [tilespmem:s0], [sflag:$0x5], $0x1, s16, s1, $0xb8;
	[tilespmem:$0x7100] =	vst v63  }
.Ltmp1:
0x67: {  	s24 =	sadd.s32 $0x4, s24;
	s14 =	simm.s32 @!p5 $0x8;
	(pc) =	sbr.rel @p2 .LBB2_4-.Ltmp1, $4  }
0x68: {  	s26 =	smov.u32 s30;
	p4 =	sge.u32 s24, s5;
	_ =	swait.ge @!p5 [sflag:s14], $0x800  }
0x69: {  	s25 =	simm.s32 @!p0 $0x1800;
	s1 =	simm.s32 @!p0 $0x0;
	[sflag:s14] =	ssyncset.done @!p5 $0x0  }
0x6a: {  	s0 =	sadd.s32 @!p4 s26, s13;
	[sflag:s14] =	ssyncadd.s32 @!p5 $0xFFFFF800;
	s14 =	sadd.s32 @!p4 s26, s12  }
0x6b: {  	s0 =	sadd.s32 @!p4 $0xC3900, s0;
	s30 =	rddreg [dreg:$0x5];
	s31 =	sadd.s32 @!p4 $0x400, s14  }
0x6c: {  	[tilespmem:s25], [sflag:$0x4] =	stream.linear.gather @!p0 [hbm4b:s29+s1], $0x800, $0x38;
	[tilespmem:$0x7100] =	vst v63  }
0x6d: {  	p2 =	sge.u32 s19, s30  }
0x6e: {  	s14 =	simm.s32 @!p2 $0x2  }
0x6f: {  	[tilespmem:s20], [sflag:$0x4] =	stream.linear.gather @!p0 [hbm4b:s28+s1], $0x800, $0x38;
	[tilespmem:$0x7100] =	vst v63  }
0x70: {  	_ =	swait.ge @!p2 [sflag:s14], $0x800  }
0x71: {  	[sflag:s14] =	ssyncset.done @!p2 $0x0  }
0x72: {  	[sflag:s14] =	ssyncadd.s32 @!p2 $0xFFFFF800  }
0x73: {  	_ =	swait.ge @!p2 [sflag:s14], $0x800  }
0x74: {  	s16 =	simm.s32 @!p2 $0x800;
	[sflag:s14] =	ssyncset.done @!p2 $0x0  }
0x75: {  	s21 =	simm.s32 @!p2 $0x2800;
	s1 =	simm.s32 @!p3 $0x5;
	[sflag:s14] =	ssyncadd.s32 @!p2 $0xFFFFF800  }
0x76: {  	[spmem:s2] =	stream.indirect.scatter.add.f32 @!p2 [tilespmem:s21], [sflag:$0x6], $0x1, s16, s16, $0xb8;
	[tilespmem:$0x7100] =	vst v63  }
0x77: {  	_ =	swait.ge @!p3 [sflag:s1], $0x800  }
0x78: {  	[sflag:s1] =	ssyncset.done @!p3 $0x0  }
0x79: {  	[sflag:s1] =	ssyncadd.s32 @!p3 $0xFFFFF800;
	s1 =	simm.s32 @!p4 $0x0  }
0x7a: {  	[tilespmem:s1], [sflag:$0x1] =	stream.linear.gather @!p4 [hbm4b:s0+s1], $0x800, $0x38;
	[tilespmem:$0x7100] =	vst v63  }
0x7b: {  	s14 =	simm.s32 @!p1 $0x3;
	s0 =	simm.s32 @!p4 $0x2000  }
0x7c: {  	[tilespmem:s0], [sflag:$0x1] =	stream.linear.gather @!p4 [hbm4b:s31+s1], $0x800, $0x38;
	[tilespmem:$0x7100] =	vst v63  }
0x7d: {  	_ =	swait.ge @!p1 [sflag:s14], $0x800  }
0x7e: {  	[sflag:s14] =	ssyncset.done @!p1 $0x0  }
0x7f: {  	[sflag:s14] =	ssyncadd.s32 @!p1 $0xFFFFF800  }
0x80: {  	s29 =	sadd.s32 $0x5, s19;
	_ =	swait.ge @!p1 [sflag:s14], $0x800  }
0x81: {  	p3 =	sge.u32 s29, s5;
	[sflag:s14] =	ssyncset.done @!p1 $0x0  }
0x82: {  	s0 =	simm.s32 @!p1 $0x800;
	s1 =	simm.s32 @!p2 $0x6;
	[sflag:s14] =	ssyncadd.s32 @!p1 $0xFFFFF800  }
0x83: {  	[spmem:s2] =	stream.indirect.scatter.add.f32 @!p1 [tilespmem:s23], [sflag:$0x7], $0x1, s22, s0, $0xb8;
	[tilespmem:$0x7100] =	vst v63  }
0x84: {  	s16 =	simm.s32 @!p3 $0x800;
	_ =	swait.ge @!p2 [sflag:s1], $0x800  }
0x85: {  	s19 =	simm.s32 @!p3 $0x0;
	s0 =	sadd.s32 @!p3 s26, s13;
	[sflag:s1] =	ssyncset.done @!p2 $0x0  }
0x86: {  	s14 =	sadd.s32 @!p3 s26, s12;
	s0 =	sadd.s32 @!p3 $0xC3A00, s0;
	[sflag:s1] =	ssyncadd.s32 @!p2 $0xFFFFF800  }
0x87: {  	[tilespmem:s16], [sflag:$0x2] =	stream.linear.gather @!p3 [hbm4b:s0+s19], $0x800, $0x38;
	[tilespmem:$0x7100] =	vst v63  }
0x88: {  	s1 =	simm.s32 @!p3 $0x2800;
	s0 =	sadd.s32 @!p3 $0x500, s14;
	s14 =	simm.s32 @!p0 $0x4  }
0x89: {  	[tilespmem:s1], [sflag:$0x2] =	stream.linear.gather @!p3 [hbm4b:s0+s19], $0x800, $0x38;
	[tilespmem:$0x7100] =	vst v63  }
0x8a: {  	_ =	swait.ge @!p0 [sflag:s14], $0x800  }
0x8b: {  	[sflag:s14] =	ssyncset.done @!p0 $0x0  }
0x8c: {  	[sflag:s14] =	ssyncadd.s32 @!p0 $0xFFFFF800  }
0x8d: {  	_ =	swait.ge @!p0 [sflag:s14], $0x800  }
0x8e: {  	s30 =	stileid.u32;
	[sflag:s14] =	ssyncset.done @!p0 $0x0  }
0x8f: {  	s3 =	sadd.s32 $0x1, s3;
	s0 =	simm.s32 @!p0 $0x800;
	[sflag:s14] =	ssyncadd.s32 @!p0 $0xFFFFF800  }
0x90: {  	[spmem:s2] =	stream.indirect.scatter.add.f32 @!p0 [tilespmem:s20], [sflag:$0x8], $0x1, s25, s0, $0xb8;
	[tilespmem:$0x7100] =	vst v63  }
0x91: {  	s31 =	sshrl.u32 s4, $0x3;
	s0 =	sshll.u32 s30, $0x6;
	p0 =	sne.s32 s3, s11  }
.Ltmp2:
0x92: {  	[bflag:$0x0] =	sbarrier.arrive $0xFFFF;
	s0 =	sor.u32 $0x1C09, s0;
	(pc) =	sbr.rel @p0 .LBB2_1-.Ltmp2, $4  }
0x93: {  	[hbm:s10], [sflag:s0] =	dma.local [spmem:s31], $0x310  }
0x94: {  	_ =	swait.ge [sflag:s15], $0x310  }
0x95: {  	[sflag:s15] =	ssyncset.done $0x0  }
0x96: {  	[sflag:s15] =	ssyncadd.s32 $0xFFFFFCF0  }
0x97: {  	_ =	sfence.sel $0x180000  }
0x98: {  	[bflag:$0x0] =	sbarrier.arrive $0xFFFF  }
0x99: {  	_ =	strace $0x90000047  }
0x9a: {  	s0 =	stileid.u32;
	[bflag:$0x2] =	sbarrier.arrive $0xFFFF  }
0x9b: {  	p0 =	sne.s32 s0, $0x0;
	s0 =	rddreg [dreg:$0x4]  }
0x9c: {  	s0 =	sadd.s32 @!p0 $0x100000, s0  }
0x9d: {  	[sflag:s0] =	ssyncadd.tile.s32 @!p0 $0x1;
	_ =	shalt  }
.Lfunc_end2:
_tile_overlayer_lowered:
.L_overlay_start_2:
0x9e: {  	(tag) =	ssettag $0x2  }
0x9f: {  	s0 =	rddreg [dreg:$0x0];
	s2 =	stileid.u32  }
0xa0: {  	s1 =	rddreg [dreg:$0x1];
	p0 =	sne.s32 s2, $0x0  }
0xa1: {  	s3 =	rddreg [dreg:$0x2];
	[bflag:$0x3] =	sbarrier.arrive $0xFFFF;
	s2 =	simm.s32 @!p0 $0x1C09  }
0xa2: {  	[timem:s3], [sflag:s2] =	dma.local @!p0 [hbm:s0], s1  }
0xa3: {  	s0 =	simm.s32 @!p0 $0x9  }
0xa4: {  	_ =	swait.ge @!p0 [sflag:s0], s1  }
0xa5: {  	s1 =	ssub.s32 @!p0 $0x0, s1;
	[sflag:s0] =	ssyncset.done @!p0 $0x0  }
0xa6: {  	[sflag:s0] =	ssyncadd.s32 @!p0 s1  }
0xa7: {  	[bflag:$0x3] =	sbarrier.arrive $0xFFFF  }
0xa8: {  	_ =	shalt  }

</sc_bundles>
